<compile_context>
chip_gen: v7x
topology: tpu7x:2x2x1
jax: 0.10.2.dev20260603
libtpu: 0.0.44.dev20260713+nightly
codegen_flags: <defaults>
</compile_context>

<pallas_src>
import functools

import jax
import jax.numpy as jnp
from jax.experimental import pallas as pl
from jax.experimental.pallas import tpu as pltpu
from jax.experimental.pallas import tpu_sc as plsc


def _sc_gather(table, flat_idx, n_rows, row_width, window):
    mesh = plsc.VectorSubcoreMesh(core_axis_name="c", subcore_axis_name="s")
    n_workers = 32
    n_steps = n_rows // window
    assert n_steps % n_workers == 0
    steps_per_worker = n_steps // n_workers
    idx3d = flat_idx.reshape(n_steps, 1, window)

    @functools.partial(
        pl.kernel,
        out_type=jax.ShapeDtypeStruct((n_rows, row_width), table.dtype),
        mesh=mesh,
    )
    def k(x_hbm, i_hbm, o_hbm):
        def body(i_vmem, o_vmem):
            pltpu.sync_copy(x_hbm.at[i_vmem.at[0, 0]], o_vmem)

        pltpu.emit_pipeline(
            body,
            grid=(n_workers, steps_per_worker),
            in_specs=[
                pl.BlockSpec(
                    (1, 1, window),
                    index_map=lambda w, i: (w * steps_per_worker + i, 0, 0),
                )
            ],
            out_specs=[
                pl.BlockSpec(
                    (window, row_width),
                    index_map=lambda w, i: (w * steps_per_worker + i, 0),
                )
            ],
            core_axis_name=("c", "s"),
            dimension_semantics=(pltpu.PARALLEL, pltpu.ARBITRARY),
        )(i_hbm, o_hbm)

    return k(table, idx3d)


def _tc_gemm(g, w_stack, b_stack, out_rows, block_rows, blocks_per_batch,
             inner_blocks):
    k_dim = g.shape[1]
    n_out = w_stack.shape[-1]
    grid = out_rows // block_rows

    def body(g_ref, w_ref, b_ref, o_ref):
        o_ref[...] = (
            jnp.dot(g_ref[...], w_ref[0], preferred_element_type=jnp.float32)
            + b_ref[0]
        )

    def wsel(i):
        return jnp.where((i % blocks_per_batch) < inner_blocks, 0, 1)

    return pl.pallas_call(
        body,
        grid=(grid,),
        in_specs=[
            pl.BlockSpec((block_rows, k_dim), lambda i: (i, 0)),
            pl.BlockSpec((1, k_dim, n_out), lambda i: (wsel(i), 0, 0)),
            pl.BlockSpec((1, 1, n_out), lambda i: (wsel(i), 0, 0)),
        ],
        out_specs=pl.BlockSpec((block_rows, n_out), lambda i: (i, 0)),
        out_shape=jax.ShapeDtypeStruct((out_rows, n_out), jnp.float32),
    )(g, w_stack, b_stack)


def kernel(x, indices_inner, indices_outer, W_inner, b_inner, W_outer, b_outer):
    bs, n_nodes, cin = x.shape
    nb_in, seq = indices_inner.shape
    nb_out = indices_outer.shape[0]
    cout = W_inner.shape[0]

    table = jnp.concatenate(
        [x.reshape(bs * n_nodes, cin), jnp.zeros((8, cin), x.dtype)], axis=0
    )

    idx_cat = jnp.concatenate([indices_inner, indices_outer], axis=0)
    batch_off = (jnp.arange(bs, dtype=jnp.int32) * n_nodes)[:, None, None]
    gidx = jnp.where(idx_cat[None] < n_nodes, idx_cat[None] + batch_off,
                     bs * n_nodes)
    flat_idx = gidx.reshape(-1)

    window = 128
    n_real = flat_idx.shape[0]
    quantum = window * 32
    n_rows = ((n_real + quantum - 1) // quantum) * quantum
    if n_rows != n_real:
        flat_idx = jnp.concatenate(
            [flat_idx,
             jnp.full((n_rows - n_real,), bs * n_nodes, jnp.int32)]
        )
    gathered = _sc_gather(table, flat_idx, n_rows, cin, window=window)

    g2d = gathered.reshape(n_rows // seq, seq * cin)

    w_stack = jnp.stack([W_inner.T, W_outer.T], axis=0)
    b_stack = jnp.stack([b_inner, b_outer], axis=0)[:, None, :]

    block_rows = 1000
    out2d = _tc_gemm(
        g2d, w_stack, b_stack,
        out_rows=bs * (nb_in + nb_out),
        block_rows=block_rows,
        blocks_per_batch=(nb_in + nb_out) // block_rows,
        inner_blocks=nb_in // block_rows,
    )
    return out2d.reshape(bs, nb_in + nb_out, cout)

# --- scband reference (transcript-rebuilt; emitter-appended) ---
"""Pipeline reference for scband-spiral-conv-multistructure-22668837388971 (READ-ONLY COPY).

The authoritative reference and input builder live on the scoring server;
editing this copy changes nothing except your own understanding.
"""

import jax, jax.numpy as jnp
import numpy as np

BS = 4
NB_IN = 10000
NB_OUT = 2000
SEQ = 16
CIN = 128
COUT = 128


def _xavier_uniform(key, shape):
    fan_out, fan_in = shape
    limit = float(np.sqrt(6.0 / (fan_in + fan_out)))
    return jax.random.uniform(key, shape, minval=-limit, maxval=limit, dtype=jnp.float32)


def setup_inputs(seed: int = 0) -> dict:
    key = jax.random.key(seed)
    k1, k2, k3, k4, k5 = jax.random.split(key, 5)
    x = jax.random.normal(k1, (BS, NB_IN + NB_OUT, CIN), dtype=jnp.float32)
    indices_inner = jax.random.randint(k2, (NB_IN, SEQ), 0, 2 * NB_IN, dtype=jnp.int32)
    indices_outer = jax.random.randint(k3, (NB_OUT, SEQ), 0, 2 * NB_IN, dtype=jnp.int32)
    W_inner = _xavier_uniform(k4, (COUT, CIN * SEQ))
    b_inner = jnp.zeros((COUT,), dtype=jnp.float32)
    W_outer = _xavier_uniform(k5, (COUT, CIN * SEQ))
    b_outer = jnp.zeros((COUT,), dtype=jnp.float32)
    return {"x": x, "indices_inner": indices_inner, "indices_outer": indices_outer,
            "W_inner": W_inner, "b_inner": b_inner, "W_outer": W_outer, "b_outer": b_outer}


def reference(x, indices_inner, indices_outer, W_inner, b_inner, W_outer, b_outer):
    bs = x.shape[0]
    nb_in = indices_inner.shape[0]
    nb_out = indices_outer.shape[0]
    cin = x.shape[-1]
    inner_x = x[:, :nb_in, :]
    outer_x = x[:, nb_in:, :]
    zeros = jnp.zeros((bs, nb_in - nb_out, cin), dtype=x.dtype)
    # x_padded: [bs, 2*nb_in, cin] = cat(inner_x, cat(outer_x, zeros))
    x_padded = jnp.concatenate([inner_x, outer_x, zeros], axis=1)
    # spiral gather along node dim (dim=1), flattened indices then reshaped
    g_in = jnp.take(x_padded, indices_inner.reshape(-1), axis=1)
    g_in = g_in.reshape(bs, nb_in, -1)
    out_in = g_in @ W_inner.T + b_inner
    g_out = jnp.take(x_padded, indices_outer.reshape(-1), axis=1)
    g_out = g_out.reshape(bs, nb_out, -1)
    out_out = g_out @ W_outer.T + b_outer
    # out_channels == out_channels_outer -> concatenate along node dim
    return jnp.concatenate([out_in, out_out], axis=1)

if __name__ == "__main__":
    import jax
    _d = setup_inputs()
    print(jax.jit(kernel)(*tuple(_d.values())))

</pallas_src>

<mosaic_0001>
#map = affine_map<(d0, d1) -> (0, 0)>
#map1 = affine_map<(d0, d1) -> (0, 0, 0)>
module attributes {stable_mosaic.version = 14 : i64} {
  func.func @k(%arg0: i32, %arg1: i32, %arg2: memref<48008x128xf32, #tpu.memory_space<hbm>>, %arg3: memref<6016x1x128xi32, #tpu.memory_space<hbm>>, %arg4: memref<770048x128xf32, #tpu.memory_space<hbm>>) attributes {dimension_semantics = [#tpu.dimension_semantics<core_parallel>, #tpu.dimension_semantics<subcore_parallel>], iteration_bounds = array<i64: 2, 16>, scalar_prefetch = 0 : i64, scratch_operands = 0 : i64, tpu.core_type = #tpu.core_type<sc_vector_subcore>, window_params = [{transform_indices = #map}, {transform_indices = #map1}, {transform_indices = #map}]} {
    %mul3A = arith.constant 1 : i32
    %mul3A_0 = arith.muli %arg1, %mul3A : i32
    %add3A = arith.constant 0 : i32
    %add3A_1 = arith.addi %add3A, %mul3A_0 : i32
    %mul3A_2 = arith.constant 16 : i32
    %mul3A_3 = arith.muli %arg0, %mul3A_2 : i32
    %add3A_4 = arith.addi %add3A_1, %mul3A_3 : i32
    %mul3A_5 = arith.constant 1 : i32
    %mul3A_6 = arith.muli %add3A_4, %mul3A_5 : i32
    "tpu.region"() ({
      %run_scoped3A = memref.alloca() : memref<2x1x1x128xi32, #tpu.memory_space<vmem>>
      %run_scoped3A_7 = tpu.sem_alloc : memref<2x!tpu.dma_semaphore, #tpu.memory_space<semaphore_mem>>
      %run_scoped3A_8 = memref.alloca() : memref<2x128x128xf32, #tpu.memory_space<vmem>>
      %run_scoped3A_9 = tpu.sem_alloc : memref<2x!tpu.dma_semaphore, #tpu.memory_space<semaphore_mem>>
      %add3A_10 = arith.constant 0 : i32
      %add3A_11 = arith.addi %add3A_10, %mul3A_6 : i32
      %select_n3A = arith.constant true
      %select_n3A_12 = arith.constant 0 : i32
      %select_n3A_13 = arith.constant -1 : i32
      %select_n3A_14 = arith.select %select_n3A, %select_n3A_13, %select_n3A_12 : i32
      %eq3A = arith.constant -1 : i32
      %eq3A_15 = arith.cmpi eq, %select_n3A_14, %eq3A : i32
      %select_n3A_16 = arith.constant 187 : i32
      %select_n3A_17 = arith.select %eq3A_15, %select_n3A_16, %select_n3A_14 : i32
      %select_n3A_18 = arith.constant 0 : i32
      %select_n3A_19 = arith.constant -1 : i32
      %select_n3A_20 = arith.select %eq3A_15, %select_n3A_19, %select_n3A_18 : i32
      %eq3A_21 = arith.constant -1 : i32
      %eq3A_22 = arith.cmpi eq, %select_n3A_20, %eq3A_21 : i32
      %select_n3A_23 = arith.constant 0 : i32
      %select_n3A_24 = arith.select %eq3A_22, %select_n3A_23, %select_n3A_20 : i32
      %add3A_25 = arith.constant 0 : i32
      %add3A_26 = arith.addi %add3A_25, %mul3A_6 : i32
      %add3A_27 = arith.constant 0 : i32
      %add3A_28 = arith.addi %select_n3A_17, %add3A_27 : i32
      %select_n3A_29 = arith.constant true
      %select_n3A_30 = arith.constant 0 : i32
      %select_n3A_31 = arith.constant 1 : i32
      %select_n3A_32 = arith.select %select_n3A_29, %select_n3A_31, %select_n3A_30 : i32
      %eq3A_33 = arith.constant 188 : i32
      %eq3A_34 = arith.cmpi eq, %select_n3A_32, %eq3A_33 : i32
      %select_n3A_35 = arith.constant 0 : i32
      %select_n3A_36 = arith.select %eq3A_34, %select_n3A_35, %select_n3A_32 : i32
      %select_n3A_37 = arith.constant 0 : i32
      %select_n3A_38 = arith.constant 1 : i32
      %select_n3A_39 = arith.select %eq3A_34, %select_n3A_38, %select_n3A_37 : i32
      %eq3A_40 = arith.constant 1 : i32
      %eq3A_41 = arith.cmpi eq, %select_n3A_39, %eq3A_40 : i32
      %select_n3A_42 = arith.constant 0 : i32
      %select_n3A_43 = arith.select %eq3A_41, %select_n3A_42, %select_n3A_39 : i32
      %add3A_44 = arith.constant 0 : i32
      %add3A_45 = arith.addi %add3A_44, %mul3A_6 : i32
      %add3A_46 = arith.constant 0 : i32
      %add3A_47 = arith.addi %select_n3A_36, %add3A_46 : i32
      %add3A_48 = arith.constant 1 : i32
      %add3A_49 = arith.addi %select_n3A_36, %add3A_48 : i32
      %select_n3A_50 = arith.constant true
      %select_n3A_51 = arith.select %select_n3A_50, %add3A_49, %select_n3A_36 : i32
      %eq3A_52 = arith.constant 188 : i32
      %eq3A_53 = arith.cmpi eq, %select_n3A_51, %eq3A_52 : i32
      %select_n3A_54 = arith.constant 0 : i32
      %select_n3A_55 = arith.select %eq3A_53, %select_n3A_54, %select_n3A_51 : i32
      %select_n3A_56 = arith.constant 0 : i32
      %select_n3A_57 = arith.constant 1 : i32
      %select_n3A_58 = arith.select %eq3A_53, %select_n3A_57, %select_n3A_56 : i32
      %eq3A_59 = arith.constant 1 : i32
      %eq3A_60 = arith.cmpi eq, %select_n3A_58, %eq3A_59 : i32
      %select_n3A_61 = arith.constant 0 : i32
      %select_n3A_62 = arith.select %eq3A_60, %select_n3A_61, %select_n3A_58 : i32
      %add3A_63 = arith.constant 0 : i32
      %add3A_64 = arith.addi %add3A_63, %mul3A_6 : i32
      %add3A_65 = arith.constant 0 : i32
      %add3A_66 = arith.addi %select_n3A_55, %add3A_65 : i32
      "tpu.trace_start"() <{level = 10 : i32, message = "ep_initialize_0"}> : () -> ()
      %rem3A = arith.constant 0 : i32
      %rem3A_67 = arith.constant 2 : i32
      %rem3A_68 = arith.remui %rem3A, %rem3A_67 : i32
      %mul3A_69 = arith.constant 188 : i32
      %mul3A_70 = arith.muli %add3A_11, %mul3A_69 : i32
      %add3A_71 = arith.constant 0 : i32
      %add3A_72 = arith.addi %mul3A_70, %add3A_71 : i32
      %mul3A_73 = arith.constant 1 : i32
      %mul3A_74 = arith.muli %mul3A_73, %add3A_72 : i32
      %dma_start3A = arith.constant 0 : i32
      %dma_start3A_75 = arith.constant 0 : i32
      %dma_start3A_76 = arith.constant 0 : i32
      %dma_start3A_77 = tpu.memref_slice %run_scoped3A[%rem3A_68, %dma_start3A, %dma_start3A_75, %dma_start3A_76] : memref<2x1x1x128xi32, #tpu.memory_space<vmem>> -> memref<1x1x1x128xi32, #tpu.memory_space<vmem>>
      %dma_start3A_78 = tpu.memref_squeeze %dma_start3A_77 : memref<1x1x1x128xi32, #tpu.memory_space<vmem>> -> memref<1x1x128xi32, #tpu.memory_space<vmem>>
      %dma_start3A_79 = arith.constant 0 : i32
      %dma_start3A_80 = arith.constant 0 : i32
      %dma_start3A_81 = tpu.memref_slice %arg3[%mul3A_74, %dma_start3A_79, %dma_start3A_80] : memref<6016x1x128xi32, #tpu.memory_space<hbm>> -> memref<1x1x128xi32, #tpu.memory_space<hbm>>
      %dma_start3A_82 = tpu.memref_slice %run_scoped3A_7[%rem3A_68] : memref<2x!tpu.dma_semaphore, #tpu.memory_space<semaphore_mem>> -> memref<1x!tpu.dma_semaphore, #tpu.memory_space<semaphore_mem>>
      %dma_start3A_83 = tpu.memref_squeeze %dma_start3A_82 : memref<1x!tpu.dma_semaphore, #tpu.memory_space<semaphore_mem>> -> memref<!tpu.dma_semaphore, #tpu.memory_space<semaphore_mem>>
      %dma_start3A_84 = arith.constant 0 : i32
      %dma_start3A_85 = arith.constant 0 : i32
      %dma_start3A_86 = arith.constant 0 : i32
      %dma_start3A_87 = tpu.memref_slice %run_scoped3A[%rem3A_68, %dma_start3A_84, %dma_start3A_85, %dma_start3A_86] : memref<2x1x1x128xi32, #tpu.memory_space<vmem>> -> memref<1x1x1x128xi32, #tpu.memory_space<vmem>>
      %dma_start3A_88 = tpu.memref_squeeze %dma_start3A_87 : memref<1x1x1x128xi32, #tpu.memory_space<vmem>> -> memref<1x1x128xi32, #tpu.memory_space<vmem>>
      %dma_start3A_89 = arith.constant 0 : i32
      %dma_start3A_90 = arith.constant 0 : i32
      %dma_start3A_91 = tpu.memref_slice %arg3[%mul3A_74, %dma_start3A_89, %dma_start3A_90] : memref<6016x1x128xi32, #tpu.memory_space<hbm>> -> memref<1x1x128xi32, #tpu.memory_space<hbm>>
      tpu.enqueue_dma source(%dma_start3A_91 : memref<1x1x128xi32, #tpu.memory_space<hbm>>) target(%dma_start3A_88 : memref<1x1x128xi32, #tpu.memory_space<vmem>>) target_semaphore(%dma_start3A_83 : memref<!tpu.dma_semaphore, #tpu.memory_space<semaphore_mem>>)
      %add3A_92 = arith.constant 0 : i32
      %add3A_93 = arith.constant 1 : i32
      %add3A_94 = arith.addi %add3A_92, %add3A_93 : i32
      %select_n3A_95 = arith.constant true
      %select_n3A_96 = arith.constant 0 : i32
      %select_n3A_97 = arith.select %select_n3A_95, %add3A_94, %select_n3A_96 : i32
      "tpu.trace_stop"() : () -> ()
      %scan3A = arith.constant 0 : i32
      %scan3A_98 = arith.constant 0 : i32
      %scan3A_99 = arith.constant 0 : i32
      %scan3A_100 = arith.constant 0 : i32
      %scan3A_101 = arith.constant 0 : i32
      %scan3A_102 = arith.constant 0 : i32
      %scan3A_103 = arith.constant 188 : i32
      %scan3A_104 = arith.addi %scan3A_102, %scan3A_103 : i32
      %scan3A_105 = arith.constant 1 : i32
      %scan3A_106:6 = scf.for %scan3A_203 = %scan3A_102 to %scan3A_104 step %scan3A_105 iter_args(%scan3A_204 = %select_n3A_97, %scan3A_205 = %scan3A, %scan3A_206 = %scan3A_98, %scan3A_207 = %scan3A_99, %scan3A_208 = %scan3A_100, %scan3A_209 = %scan3A_101) -> (i32, i32, i32, i32, i32, i32)  : i32 {
        %eq3A_210 = arith.constant 0 : i32
        %eq3A_211 = arith.cmpi eq, %scan3A_203, %eq3A_210 : i32
        %eq3A_212 = arith.constant 187 : i32
        %eq3A_213 = arith.cmpi eq, %scan3A_203, %eq3A_212 : i32
        %add3A_214 = arith.constant 0 : i32
        %add3A_215 = arith.addi %add3A_214, %mul3A_6 : i32
        %add3A_216 = arith.constant 0 : i32
        %add3A_217 = arith.addi %scan3A_209, %add3A_216 : i32
        %sub3A_218 = arith.constant 1 : i32
        %sub3A_219 = arith.subi %scan3A_209, %sub3A_218 : i32
        %select_n3A_220 = arith.constant true
        %select_n3A_221 = arith.select %select_n3A_220, %sub3A_219, %scan3A_209 : i32
        %eq3A_222 = arith.constant -1 : i32
        %eq3A_223 = arith.cmpi eq, %select_n3A_221, %eq3A_222 : i32
        %select_n3A_224 = arith.constant 187 : i32
        %select_n3A_225 = arith.select %eq3A_223, %select_n3A_224, %select_n3A_221 : i32
        %select_n3A_226 = arith.constant 0 : i32
        %select_n3A_227 = arith.constant -1 : i32
        %select_n3A_228 = arith.select %eq3A_223, %select_n3A_227, %select_n3A_226 : i32
        %eq3A_229 = arith.constant -1 : i32
        %eq3A_230 = arith.cmpi eq, %select_n3A_228, %eq3A_229 : i32
        %select_n3A_231 = arith.constant 0 : i32
        %select_n3A_232 = arith.select %eq3A_230, %select_n3A_231, %select_n3A_228 : i32
        %add3A_233 = arith.constant 0 : i32
        %add3A_234 = arith.addi %add3A_233, %mul3A_6 : i32
        %add3A_235 = arith.constant 0 : i32
        %add3A_236 = arith.addi %select_n3A_225, %add3A_235 : i32
        %add3A_237 = arith.constant 1 : i32
        %add3A_238 = arith.addi %scan3A_209, %add3A_237 : i32
        %select_n3A_239 = arith.constant true
        %select_n3A_240 = arith.select %select_n3A_239, %add3A_238, %scan3A_209 : i32
        %eq3A_241 = arith.constant 188 : i32
        %eq3A_242 = arith.cmpi eq, %select_n3A_240, %eq3A_241 : i32
        %select_n3A_243 = arith.constant 0 : i32
        %select_n3A_244 = arith.select %eq3A_242, %select_n3A_243, %select_n3A_240 : i32
        %select_n3A_245 = arith.constant 0 : i32
        %select_n3A_246 = arith.constant 1 : i32
        %select_n3A_247 = arith.select %eq3A_242, %select_n3A_246, %select_n3A_245 : i32
        %eq3A_248 = arith.constant 1 : i32
        %eq3A_249 = arith.cmpi eq, %select_n3A_247, %eq3A_248 : i32
        %select_n3A_250 = arith.constant 0 : i32
        %select_n3A_251 = arith.select %eq3A_249, %select_n3A_250, %select_n3A_247 : i32
        %add3A_252 = arith.constant 0 : i32
        %add3A_253 = arith.addi %add3A_252, %mul3A_6 : i32
        %add3A_254 = arith.constant 0 : i32
        %add3A_255 = arith.addi %select_n3A_244, %add3A_254 : i32
        %add3A_256 = arith.constant 1 : i32
        %add3A_257 = arith.addi %select_n3A_244, %add3A_256 : i32
        %select_n3A_258 = arith.constant true
        %select_n3A_259 = arith.select %select_n3A_258, %add3A_257, %select_n3A_244 : i32
        %eq3A_260 = arith.constant 188 : i32
        %eq3A_261 = arith.cmpi eq, %select_n3A_259, %eq3A_260 : i32
        %select_n3A_262 = arith.constant 0 : i32
        %select_n3A_263 = arith.select %eq3A_261, %select_n3A_262, %select_n3A_259 : i32
        %select_n3A_264 = arith.constant 0 : i32
        %select_n3A_265 = arith.constant 1 : i32
        %select_n3A_266 = arith.select %eq3A_261, %select_n3A_265, %select_n3A_264 : i32
        %eq3A_267 = arith.constant 1 : i32
        %eq3A_268 = arith.cmpi eq, %select_n3A_266, %eq3A_267 : i32
        %select_n3A_269 = arith.constant 0 : i32
        %select_n3A_270 = arith.select %eq3A_268, %select_n3A_269, %select_n3A_266 : i32
        %add3A_271 = arith.constant 0 : i32
        %add3A_272 = arith.addi %add3A_271, %mul3A_6 : i32
        %add3A_273 = arith.constant 0 : i32
        %add3A_274 = arith.addi %select_n3A_263, %add3A_273 : i32
        %mul3A_275 = arith.constant 188 : i32
        %mul3A_276 = arith.muli %add3A_215, %mul3A_275 : i32
        %add3A_277 = arith.addi %mul3A_276, %add3A_217 : i32
        %mul3A_278 = arith.constant 188 : i32
        %mul3A_279 = arith.muli %add3A_253, %mul3A_278 : i32
        %add3A_280 = arith.addi %mul3A_279, %add3A_255 : i32
        %ne3A = arith.cmpi ne, %add3A_277, %add3A_280 : i32
        %or3A = arith.constant false
        %or3A_281 = arith.ori %or3A, %ne3A : i1
        %or3A_282 = arith.constant false
        %or3A_283 = arith.ori %or3A_281, %or3A_282 : i1
        %or3A_284 = arith.constant false
        %or3A_285 = arith.ori %or3A_283, %or3A_284 : i1
        %ge3A = arith.constant 187 : i32
        %ge3A_286 = arith.cmpi sge, %scan3A_203, %ge3A : i32
        %not3A = arith.constant true
        %not3A_287 = arith.xori %ge3A_286, %not3A : i1
        %and3A = arith.andi %or3A_285, %not3A_287 : i1
        %convert_element_type3A = arith.extui %and3A : i1 to i32
        %cond3A = arith.constant 0 : i32
        %cond3A_288 = arith.cmpi ne, %convert_element_type3A, %cond3A : i32
        scf.if %cond3A_288 {
          "tpu.trace_start"() <{level = 10 : i32, message = "ep_copy_in"}> : () -> ()
          %rem3A_463 = arith.constant 2 : i32
          %rem3A_464 = arith.remui %scan3A_204, %rem3A_463 : i32
          %mul3A_465 = arith.constant 188 : i32
          %mul3A_466 = arith.muli %add3A_253, %mul3A_465 : i32
          %add3A_467 = arith.addi %mul3A_466, %add3A_255 : i32
          %mul3A_468 = arith.constant 1 : i32
          %mul3A_469 = arith.muli %mul3A_468, %add3A_467 : i32
          %dma_start3A_470 = arith.constant 0 : i32
          %dma_start3A_471 = arith.constant 0 : i32
          %dma_start3A_472 = arith.constant 0 : i32
          %dma_start3A_473 = tpu.memref_slice %run_scoped3A[%rem3A_464, %dma_start3A_470, %dma_start3A_471, %dma_start3A_472] : memref<2x1x1x128xi32, #tpu.memory_space<vmem>> -> memref<1x1x1x128xi32, #tpu.memory_space<vmem>>
          %dma_start3A_474 = tpu.memref_squeeze %dma_start3A_473 : memref<1x1x1x128xi32, #tpu.memory_space<vmem>> -> memref<1x1x128xi32, #tpu.memory_space<vmem>>
          %dma_start3A_475 = arith.constant 0 : i32
          %dma_start3A_476 = arith.constant 0 : i32
          %dma_start3A_477 = tpu.memref_slice %arg3[%mul3A_469, %dma_start3A_475, %dma_start3A_476] : memref<6016x1x128xi32, #tpu.memory_space<hbm>> -> memref<1x1x128xi32, #tpu.memory_space<hbm>>
          %dma_start3A_478 = tpu.memref_slice %run_scoped3A_7[%rem3A_464] : memref<2x!tpu.dma_semaphore, #tpu.memory_space<semaphore_mem>> -> memref<1x!tpu.dma_semaphore, #tpu.memory_space<semaphore_mem>>
          %dma_start3A_479 = tpu.memref_squeeze %dma_start3A_478 : memref<1x!tpu.dma_semaphore, #tpu.memory_space<semaphore_mem>> -> memref<!tpu.dma_semaphore, #tpu.memory_space<semaphore_mem>>
          %dma_start3A_480 = arith.constant 0 : i32
          %dma_start3A_481 = arith.constant 0 : i32
          %dma_start3A_482 = arith.constant 0 : i32
          %dma_start3A_483 = tpu.memref_slice %run_scoped3A[%rem3A_464, %dma_start3A_480, %dma_start3A_481, %dma_start3A_482] : memref<2x1x1x128xi32, #tpu.memory_space<vmem>> -> memref<1x1x1x128xi32, #tpu.memory_space<vmem>>
          %dma_start3A_484 = tpu.memref_squeeze %dma_start3A_483 : memref<1x1x1x128xi32, #tpu.memory_space<vmem>> -> memref<1x1x128xi32, #tpu.memory_space<vmem>>
          %dma_start3A_485 = arith.constant 0 : i32
          %dma_start3A_486 = arith.constant 0 : i32
          %dma_start3A_487 = tpu.memref_slice %arg3[%mul3A_469, %dma_start3A_485, %dma_start3A_486] : memref<6016x1x128xi32, #tpu.memory_space<hbm>> -> memref<1x1x128xi32, #tpu.memory_space<hbm>>
          tpu.enqueue_dma source(%dma_start3A_487 : memref<1x1x128xi32, #tpu.memory_space<hbm>>) target(%dma_start3A_484 : memref<1x1x128xi32, #tpu.memory_space<vmem>>) target_semaphore(%dma_start3A_479 : memref<!tpu.dma_semaphore, #tpu.memory_space<semaphore_mem>>)
          "tpu.trace_stop"() : () -> ()
        } else {
        }
        %and3A_289 = arith.constant true
        %and3A_290 = arith.andi %and3A, %and3A_289 : i1
        %add3A_291 = arith.constant 1 : i32
        %add3A_292 = arith.addi %scan3A_204, %add3A_291 : i32
        %select_n3A_293 = arith.select %and3A_290, %add3A_292, %scan3A_204 : i32
        %mul3A_294 = arith.constant 188 : i32
        %mul3A_295 = arith.muli %add3A_215, %mul3A_294 : i32
        %add3A_296 = arith.addi %mul3A_295, %add3A_217 : i32
        %mul3A_297 = arith.constant 188 : i32
        %mul3A_298 = arith.muli %add3A_253, %mul3A_297 : i32
        %add3A_299 = arith.addi %mul3A_298, %add3A_255 : i32
        %ne3A_300 = arith.cmpi ne, %add3A_296, %add3A_299 : i32
        %or3A_301 = arith.constant false
        %or3A_302 = arith.ori %or3A_301, %ne3A_300 : i1
        %or3A_303 = arith.constant false
        %or3A_304 = arith.ori %or3A_302, %or3A_303 : i1
        %ge3A_305 = arith.constant 187 : i32
        %ge3A_306 = arith.cmpi sge, %scan3A_203, %ge3A_305 : i32
        %not3A_307 = arith.constant true
        %not3A_308 = arith.xori %ge3A_306, %not3A_307 : i1
        %and3A_309 = arith.andi %or3A_304, %not3A_308 : i1
        %mul3A_310 = arith.constant 188 : i32
        %mul3A_311 = arith.muli %add3A_215, %mul3A_310 : i32
        %add3A_312 = arith.addi %mul3A_311, %add3A_217 : i32
        %mul3A_313 = arith.constant 188 : i32
        %mul3A_314 = arith.muli %add3A_234, %mul3A_313 : i32
        %add3A_315 = arith.addi %mul3A_314, %add3A_236 : i32
        %ne3A_316 = arith.cmpi ne, %add3A_312, %add3A_315 : i32
        %or3A_317 = arith.constant false
        %or3A_318 = arith.ori %or3A_317, %ne3A_316 : i1
        %or3A_319 = arith.constant false
        %or3A_320 = arith.ori %or3A_318, %or3A_319 : i1
        %or3A_321 = arith.constant false
        %or3A_322 = arith.ori %or3A_320, %or3A_321 : i1
        %or3A_323 = arith.ori %or3A_322, %eq3A_211 : i1
        %convert_element_type3A_324 = arith.extui %or3A_323 : i1 to i32
        %cond3A_325 = arith.constant 0 : i32
        %cond3A_326 = arith.cmpi ne, %convert_element_type3A_324, %cond3A_325 : i32
        scf.if %cond3A_326 {
          "tpu.trace_start"() <{level = 10 : i32, message = "ep_wait_in"}> : () -> ()
          %mul3A_463 = arith.constant 188 : i32
          %mul3A_464 = arith.muli %add3A_215, %mul3A_463 : i32
          %add3A_465 = arith.addi %mul3A_464, %add3A_217 : i32
          %mul3A_466 = arith.constant 1 : i32
          %mul3A_467 = arith.muli %mul3A_466, %add3A_465 : i32
          %rem3A_468 = arith.constant 2 : i32
          %rem3A_469 = arith.remui %scan3A_205, %rem3A_468 : i32
          %dma_wait3A_470 = arith.constant 0 : i32
          %dma_wait3A_471 = arith.constant 0 : i32
          %dma_wait3A_472 = arith.constant 0 : i32
          %dma_wait3A_473 = tpu.memref_slice %run_scoped3A[%rem3A_469, %dma_wait3A_470, %dma_wait3A_471, %dma_wait3A_472] : memref<2x1x1x128xi32, #tpu.memory_space<vmem>> -> memref<1x1x1x128xi32, #tpu.memory_space<vmem>>
          %dma_wait3A_474 = tpu.memref_squeeze %dma_wait3A_473 : memref<1x1x1x128xi32, #tpu.memory_space<vmem>> -> memref<1x1x128xi32, #tpu.memory_space<vmem>>
          %dma_wait3A_475 = arith.constant 0 : i32
          %dma_wait3A_476 = arith.constant 0 : i32
          %dma_wait3A_477 = tpu.memref_slice %arg3[%mul3A_467, %dma_wait3A_475, %dma_wait3A_476] : memref<6016x1x128xi32, #tpu.memory_space<hbm>> -> memref<1x1x128xi32, #tpu.memory_space<hbm>>
          %dma_wait3A_478 = tpu.memref_slice %run_scoped3A_7[%rem3A_469] : memref<2x!tpu.dma_semaphore, #tpu.memory_space<semaphore_mem>> -> memref<1x!tpu.dma_semaphore, #tpu.memory_space<semaphore_mem>>
          %dma_wait3A_479 = tpu.memref_squeeze %dma_wait3A_478 : memref<1x!tpu.dma_semaphore, #tpu.memory_space<semaphore_mem>> -> memref<!tpu.dma_semaphore, #tpu.memory_space<semaphore_mem>>
          %dma_wait3A_480 = arith.constant 0 : i32
          %dma_wait3A_481 = arith.constant 0 : i32
          %dma_wait3A_482 = arith.constant 0 : i32
          %dma_wait3A_483 = tpu.memref_slice %run_scoped3A[%rem3A_469, %dma_wait3A_480, %dma_wait3A_481, %dma_wait3A_482] : memref<2x1x1x128xi32, #tpu.memory_space<vmem>> -> memref<1x1x1x128xi32, #tpu.memory_space<vmem>>
          %dma_wait3A_484 = tpu.memref_squeeze %dma_wait3A_483 : memref<1x1x1x128xi32, #tpu.memory_space<vmem>> -> memref<1x1x128xi32, #tpu.memory_space<vmem>>
          %dma_wait3A_485 = arith.constant 0 : i32
          %dma_wait3A_486 = arith.constant 0 : i32
          %dma_wait3A_487 = tpu.memref_slice %arg3[%mul3A_467, %dma_wait3A_485, %dma_wait3A_486] : memref<6016x1x128xi32, #tpu.memory_space<hbm>> -> memref<1x1x128xi32, #tpu.memory_space<hbm>>
          tpu.wait_dma2 semaphore(%dma_wait3A_479 : memref<!tpu.dma_semaphore, #tpu.memory_space<semaphore_mem>>) src(%dma_wait3A_487 : memref<1x1x128xi32, #tpu.memory_space<hbm>>) dst(%dma_wait3A_484 : memref<1x1x128xi32, #tpu.memory_space<vmem>>)
          "tpu.trace_stop"() : () -> ()
        } else {
        }
        %mul3A_327 = arith.constant 188 : i32
        %mul3A_328 = arith.muli %add3A_215, %mul3A_327 : i32
        %add3A_329 = arith.addi %mul3A_328, %add3A_217 : i32
        %mul3A_330 = arith.constant 188 : i32
        %mul3A_331 = arith.muli %add3A_234, %mul3A_330 : i32
        %add3A_332 = arith.addi %mul3A_331, %add3A_236 : i32
        %ne3A_333 = arith.cmpi ne, %add3A_329, %add3A_332 : i32
        %or3A_334 = arith.constant false
        %or3A_335 = arith.ori %or3A_334, %ne3A_333 : i1
        %or3A_336 = arith.constant false
        %or3A_337 = arith.ori %or3A_335, %or3A_336 : i1
        %or3A_338 = arith.ori %or3A_337, %eq3A_211 : i1
        %convert_element_type3A_339 = arith.extui %or3A_338 : i1 to i32
        %cond3A_340 = arith.constant 0 : i32
        %cond3A_341 = arith.cmpi ne, %convert_element_type3A_339, %cond3A_340 : i32
        scf.if %cond3A_341 {
        } else {
        }
        %rem3A_342 = arith.constant 2 : i32
        %rem3A_343 = arith.remui %scan3A_205, %rem3A_342 : i32
        %rem3A_344 = arith.constant 2 : i32
        %rem3A_345 = arith.remui %scan3A_206, %rem3A_344 : i32
        %run_scoped3A_346 = arith.constant 0 : i32
        %run_scoped3A_347 = arith.constant 0 : i32
        "tpu.trace_start"() <{level = 10 : i32, message = "ep_run_kernel"}> : () -> ()
        "tpu.region"() ({
          %run_scoped3A_463 = tpu.sem_alloc : memref<!tpu.dma_semaphore, #tpu.memory_space<semaphore_mem>>
          %dma_start3A_464 = arith.constant 0 : i32
          %dma_start3A_465 = arith.constant 0 : i32
          %dma_start3A_466 = tpu.memref_slice %run_scoped3A_8[%rem3A_345, %dma_start3A_464, %dma_start3A_465] : memref<2x128x128xf32, #tpu.memory_space<vmem>> -> memref<1x128x128xf32, #tpu.memory_space<vmem>>
          %dma_start3A_467 = tpu.memref_squeeze %dma_start3A_466 : memref<1x128x128xf32, #tpu.memory_space<vmem>> -> memref<128x128xf32, #tpu.memory_space<vmem>>
          %dma_start3A_468 = arith.constant 0 : i32
          %dma_start3A_469 = arith.constant 0 : i32
          %dma_start3A_470 = arith.constant 0 : i32
          %dma_start3A_471 = tpu.memref_slice %run_scoped3A[%rem3A_343, %dma_start3A_468, %dma_start3A_469, %dma_start3A_470] : memref<2x1x1x128xi32, #tpu.memory_space<vmem>> -> memref<1x1x1x128xi32, #tpu.memory_space<vmem>>
          %dma_start3A_472 = tpu.memref_squeeze %dma_start3A_471 : memref<1x1x1x128xi32, #tpu.memory_space<vmem>> -> memref<1x1x128xi32, #tpu.memory_space<vmem>>
          %dma_start3A_473 = arith.constant 0 : i32
          %dma_start3A_474 = tpu.memref_slice %dma_start3A_472[%run_scoped3A_346, %run_scoped3A_347, %dma_start3A_473] : memref<1x1x128xi32, #tpu.memory_space<vmem>> -> memref<1x1x128xi32, #tpu.memory_space<vmem>>
          %dma_start3A_475 = tpu.memref_squeeze %dma_start3A_474 : memref<1x1x128xi32, #tpu.memory_space<vmem>> -> memref<128xi32, #tpu.memory_space<vmem>>
          %dma_start3A_476 = arith.constant 0 : i32
          %dma_start3A_477 = arith.constant 0 : i32
          %dma_start3A_478 = tpu.memref_slice %arg2[%dma_start3A_476, %dma_start3A_477] : memref<48008x128xf32, #tpu.memory_space<hbm>> -> memref<48008x128xf32, #tpu.memory_space<hbm>>
          tpu.enqueue_indirect_dma source(%dma_start3A_478 : memref<48008x128xf32, #tpu.memory_space<hbm>>) target(%dma_start3A_467 : memref<128x128xf32, #tpu.memory_space<vmem>>) offsets(%dma_start3A_475 : memref<128xi32, #tpu.memory_space<vmem>>) semaphore(%run_scoped3A_463 : memref<!tpu.dma_semaphore, #tpu.memory_space<semaphore_mem>>)
          %dma_wait3A_479 = arith.constant 0 : i32
          %dma_wait3A_480 = arith.constant 0 : i32
          %dma_wait3A_481 = tpu.memref_slice %run_scoped3A_8[%rem3A_345, %dma_wait3A_479, %dma_wait3A_480] : memref<2x128x128xf32, #tpu.memory_space<vmem>> -> memref<1x128x128xf32, #tpu.memory_space<vmem>>
          %dma_wait3A_482 = tpu.memref_squeeze %dma_wait3A_481 : memref<1x128x128xf32, #tpu.memory_space<vmem>> -> memref<128x128xf32, #tpu.memory_space<vmem>>
          %dma_wait3A_483 = arith.constant 0 : i32
          %dma_wait3A_484 = arith.constant 0 : i32
          %dma_wait3A_485 = arith.constant 0 : i32
          %dma_wait3A_486 = tpu.memref_slice %run_scoped3A[%rem3A_343, %dma_wait3A_483, %dma_wait3A_484, %dma_wait3A_485] : memref<2x1x1x128xi32, #tpu.memory_space<vmem>> -> memref<1x1x1x128xi32, #tpu.memory_space<vmem>>
          %dma_wait3A_487 = tpu.memref_squeeze %dma_wait3A_486 : memref<1x1x1x128xi32, #tpu.memory_space<vmem>> -> memref<1x1x128xi32, #tpu.memory_space<vmem>>
          %dma_wait3A_488 = arith.constant 0 : i32
          %dma_wait3A_489 = tpu.memref_slice %dma_wait3A_487[%run_scoped3A_346, %run_scoped3A_347, %dma_wait3A_488] : memref<1x1x128xi32, #tpu.memory_space<vmem>> -> memref<1x1x128xi32, #tpu.memory_space<vmem>>
          %dma_wait3A_490 = tpu.memref_squeeze %dma_wait3A_489 : memref<1x1x128xi32, #tpu.memory_space<vmem>> -> memref<128xi32, #tpu.memory_space<vmem>>
          %dma_wait3A_491 = arith.constant 0 : i32
          %dma_wait3A_492 = arith.constant 0 : i32
          %dma_wait3A_493 = tpu.memref_slice %arg2[%dma_wait3A_491, %dma_wait3A_492] : memref<48008x128xf32, #tpu.memory_space<hbm>> -> memref<48008x128xf32, #tpu.memory_space<hbm>>
          tpu.wait_indirect_dma semaphore(%run_scoped3A_463 : memref<!tpu.dma_semaphore, #tpu.memory_space<semaphore_mem>>) src(%dma_wait3A_493 : memref<48008x128xf32, #tpu.memory_space<hbm>>) dst(%dma_wait3A_482 : memref<128x128xf32, #tpu.memory_space<vmem>>)
          tpu.yield
        }) : () -> ()
        "tpu.trace_stop"() : () -> ()
        %mul3A_348 = arith.constant 188 : i32
        %mul3A_349 = arith.muli %add3A_215, %mul3A_348 : i32
        %add3A_350 = arith.addi %mul3A_349, %add3A_217 : i32
        %mul3A_351 = arith.constant 188 : i32
        %mul3A_352 = arith.muli %add3A_253, %mul3A_351 : i32
        %add3A_353 = arith.addi %mul3A_352, %add3A_255 : i32
        %ne3A_354 = arith.cmpi ne, %add3A_350, %add3A_353 : i32
        %or3A_355 = arith.constant false
        %or3A_356 = arith.ori %or3A_355, %ne3A_354 : i1
        %or3A_357 = arith.constant false
        %or3A_358 = arith.ori %or3A_356, %or3A_357 : i1
        %or3A_359 = arith.constant false
        %or3A_360 = arith.ori %or3A_358, %or3A_359 : i1
        %or3A_361 = arith.ori %or3A_360, %eq3A_213 : i1
        %convert_element_type3A_362 = arith.extui %or3A_361 : i1 to i32
        %cond3A_363 = arith.constant 0 : i32
        %cond3A_364 = arith.cmpi ne, %convert_element_type3A_362, %cond3A_363 : i32
        scf.if %cond3A_364 {
        } else {
        }
        %and3A_365 = arith.constant false
        %and3A_366 = arith.andi %or3A_361, %and3A_365 : i1
        %mul3A_367 = arith.constant 188 : i32
        %mul3A_368 = arith.muli %add3A_215, %mul3A_367 : i32
        %add3A_369 = arith.addi %mul3A_368, %add3A_217 : i32
        %mul3A_370 = arith.constant 188 : i32
        %mul3A_371 = arith.muli %add3A_253, %mul3A_370 : i32
        %add3A_372 = arith.addi %mul3A_371, %add3A_255 : i32
        %ne3A_373 = arith.cmpi ne, %add3A_369, %add3A_372 : i32
        %or3A_374 = arith.constant false
        %or3A_375 = arith.ori %or3A_374, %ne3A_373 : i1
        %or3A_376 = arith.constant false
        %or3A_377 = arith.ori %or3A_375, %or3A_376 : i1
        %or3A_378 = arith.ori %or3A_377, %eq3A_213 : i1
        %convert_element_type3A_379 = arith.extui %or3A_378 : i1 to i32
        %cond3A_380 = arith.constant 0 : i32
        %cond3A_381 = arith.cmpi ne, %convert_element_type3A_379, %cond3A_380 : i32
        scf.if %cond3A_381 {
          "tpu.trace_start"() <{level = 10 : i32, message = "ep_copy_out"}> : () -> ()
          %rem3A_463 = arith.constant 2 : i32
          %rem3A_464 = arith.remui %scan3A_206, %rem3A_463 : i32
          %mul3A_465 = arith.constant 188 : i32
          %mul3A_466 = arith.muli %add3A_215, %mul3A_465 : i32
          %add3A_467 = arith.addi %mul3A_466, %add3A_217 : i32
          %mul3A_468 = arith.constant 128 : i32
          %mul3A_469 = arith.muli %mul3A_468, %add3A_467 : i32
          %dma_start3A_470 = arith.constant 0 : i32
          %dma_start3A_471 = arith.constant 0 : i32
          %dma_start3A_472 = tpu.memref_slice %run_scoped3A_8[%rem3A_464, %dma_start3A_470, %dma_start3A_471] : memref<2x128x128xf32, #tpu.memory_space<vmem>> -> memref<1x128x128xf32, #tpu.memory_space<vmem>>
          %dma_start3A_473 = tpu.memref_squeeze %dma_start3A_472 : memref<1x128x128xf32, #tpu.memory_space<vmem>> -> memref<128x128xf32, #tpu.memory_space<vmem>>
          %dma_start3A_474 = arith.constant 0 : i32
          %dma_start3A_475 = tpu.memref_slice %arg4[%mul3A_469, %dma_start3A_474] : memref<770048x128xf32, #tpu.memory_space<hbm>> -> memref<128x128xf32, #tpu.memory_space<hbm>>
          %dma_start3A_476 = tpu.memref_slice %run_scoped3A_9[%rem3A_464] : memref<2x!tpu.dma_semaphore, #tpu.memory_space<semaphore_mem>> -> memref<1x!tpu.dma_semaphore, #tpu.memory_space<semaphore_mem>>
          %dma_start3A_477 = tpu.memref_squeeze %dma_start3A_476 : memref<1x!tpu.dma_semaphore, #tpu.memory_space<semaphore_mem>> -> memref<!tpu.dma_semaphore, #tpu.memory_space<semaphore_mem>>
          %dma_start3A_478 = arith.constant 0 : i32
          %dma_start3A_479 = tpu.memref_slice %arg4[%mul3A_469, %dma_start3A_478] : memref<770048x128xf32, #tpu.memory_space<hbm>> -> memref<128x128xf32, #tpu.memory_space<hbm>>
          %dma_start3A_480 = arith.constant 0 : i32
          %dma_start3A_481 = arith.constant 0 : i32
          %dma_start3A_482 = tpu.memref_slice %run_scoped3A_8[%rem3A_464, %dma_start3A_480, %dma_start3A_481] : memref<2x128x128xf32, #tpu.memory_space<vmem>> -> memref<1x128x128xf32, #tpu.memory_space<vmem>>
          %dma_start3A_483 = tpu.memref_squeeze %dma_start3A_482 : memref<1x128x128xf32, #tpu.memory_space<vmem>> -> memref<128x128xf32, #tpu.memory_space<vmem>>
          tpu.enqueue_dma source(%dma_start3A_483 : memref<128x128xf32, #tpu.memory_space<vmem>>) target(%dma_start3A_479 : memref<128x128xf32, #tpu.memory_space<hbm>>) target_semaphore(%dma_start3A_477 : memref<!tpu.dma_semaphore, #tpu.memory_space<semaphore_mem>>)
          "tpu.trace_stop"() : () -> ()
        } else {
        }
        %and3A_382 = arith.constant true
        %and3A_383 = arith.andi %or3A_378, %and3A_382 : i1
        %add3A_384 = arith.constant 1 : i32
        %add3A_385 = arith.addi %scan3A_206, %add3A_384 : i32
        %select_n3A_386 = arith.select %and3A_383, %add3A_385, %scan3A_206 : i32
        %mul3A_387 = arith.constant 188 : i32
        %mul3A_388 = arith.muli %add3A_215, %mul3A_387 : i32
        %add3A_389 = arith.addi %mul3A_388, %add3A_217 : i32
        %mul3A_390 = arith.constant 188 : i32
        %mul3A_391 = arith.muli %add3A_234, %mul3A_390 : i32
        %add3A_392 = arith.addi %mul3A_391, %add3A_236 : i32
        %ne3A_393 = arith.cmpi ne, %add3A_389, %add3A_392 : i32
        %or3A_394 = arith.constant false
        %or3A_395 = arith.ori %or3A_394, %ne3A_393 : i1
        %or3A_396 = arith.constant false
        %or3A_397 = arith.ori %or3A_395, %or3A_396 : i1
        %or3A_398 = arith.constant false
        %or3A_399 = arith.ori %or3A_397, %or3A_398 : i1
        %not3A_400 = arith.constant true
        %not3A_401 = arith.xori %eq3A_211, %not3A_400 : i1
        %and3A_402 = arith.andi %or3A_399, %not3A_401 : i1
        %convert_element_type3A_403 = arith.extui %and3A_402 : i1 to i32
        %cond3A_404 = arith.constant 0 : i32
        %cond3A_405 = arith.cmpi ne, %convert_element_type3A_403, %cond3A_404 : i32
        scf.if %cond3A_405 {
        } else {
        }
        %and3A_406 = arith.constant false
        %and3A_407 = arith.andi %and3A_402, %and3A_406 : i1
        %mul3A_408 = arith.constant 188 : i32
        %mul3A_409 = arith.muli %add3A_215, %mul3A_408 : i32
        %add3A_410 = arith.addi %mul3A_409, %add3A_217 : i32
        %mul3A_411 = arith.constant 188 : i32
        %mul3A_412 = arith.muli %add3A_234, %mul3A_411 : i32
        %add3A_413 = arith.addi %mul3A_412, %add3A_236 : i32
        %ne3A_414 = arith.cmpi ne, %add3A_410, %add3A_413 : i32
        %or3A_415 = arith.constant false
        %or3A_416 = arith.ori %or3A_415, %ne3A_414 : i1
        %or3A_417 = arith.constant false
        %or3A_418 = arith.ori %or3A_416, %or3A_417 : i1
        %not3A_419 = arith.constant true
        %not3A_420 = arith.xori %eq3A_211, %not3A_419 : i1
        %and3A_421 = arith.andi %or3A_418, %not3A_420 : i1
        %convert_element_type3A_422 = arith.extui %and3A_421 : i1 to i32
        %cond3A_423 = arith.constant 0 : i32
        %cond3A_424 = arith.cmpi ne, %convert_element_type3A_422, %cond3A_423 : i32
        scf.if %cond3A_424 {
          "tpu.trace_start"() <{level = 10 : i32, message = "ep_wait_out"}> : () -> ()
          %rem3A_463 = arith.constant 2 : i32
          %rem3A_464 = arith.remui %scan3A_207, %rem3A_463 : i32
          %mul3A_465 = arith.constant 188 : i32
          %mul3A_466 = arith.muli %add3A_234, %mul3A_465 : i32
          %add3A_467 = arith.addi %mul3A_466, %add3A_236 : i32
          %mul3A_468 = arith.constant 128 : i32
          %mul3A_469 = arith.muli %mul3A_468, %add3A_467 : i32
          %dma_wait3A_470 = arith.constant 0 : i32
          %dma_wait3A_471 = arith.constant 0 : i32
          %dma_wait3A_472 = tpu.memref_slice %run_scoped3A_8[%rem3A_464, %dma_wait3A_470, %dma_wait3A_471] : memref<2x128x128xf32, #tpu.memory_space<vmem>> -> memref<1x128x128xf32, #tpu.memory_space<vmem>>
          %dma_wait3A_473 = tpu.memref_squeeze %dma_wait3A_472 : memref<1x128x128xf32, #tpu.memory_space<vmem>> -> memref<128x128xf32, #tpu.memory_space<vmem>>
          %dma_wait3A_474 = arith.constant 0 : i32
          %dma_wait3A_475 = tpu.memref_slice %arg4[%mul3A_469, %dma_wait3A_474] : memref<770048x128xf32, #tpu.memory_space<hbm>> -> memref<128x128xf32, #tpu.memory_space<hbm>>
          %dma_wait3A_476 = tpu.memref_slice %run_scoped3A_9[%rem3A_464] : memref<2x!tpu.dma_semaphore, #tpu.memory_space<semaphore_mem>> -> memref<1x!tpu.dma_semaphore, #tpu.memory_space<semaphore_mem>>
          %dma_wait3A_477 = tpu.memref_squeeze %dma_wait3A_476 : memref<1x!tpu.dma_semaphore, #tpu.memory_space<semaphore_mem>> -> memref<!tpu.dma_semaphore, #tpu.memory_space<semaphore_mem>>
          %dma_wait3A_478 = arith.constant 0 : i32
          %dma_wait3A_479 = tpu.memref_slice %arg4[%mul3A_469, %dma_wait3A_478] : memref<770048x128xf32, #tpu.memory_space<hbm>> -> memref<128x128xf32, #tpu.memory_space<hbm>>
          %dma_wait3A_480 = arith.constant 0 : i32
          %dma_wait3A_481 = arith.constant 0 : i32
          %dma_wait3A_482 = tpu.memref_slice %run_scoped3A_8[%rem3A_464, %dma_wait3A_480, %dma_wait3A_481] : memref<2x128x128xf32, #tpu.memory_space<vmem>> -> memref<1x128x128xf32, #tpu.memory_space<vmem>>
          %dma_wait3A_483 = tpu.memref_squeeze %dma_wait3A_482 : memref<1x128x128xf32, #tpu.memory_space<vmem>> -> memref<128x128xf32, #tpu.memory_space<vmem>>
          tpu.wait_dma2 semaphore(%dma_wait3A_477 : memref<!tpu.dma_semaphore, #tpu.memory_space<semaphore_mem>>) src(%dma_wait3A_483 : memref<128x128xf32, #tpu.memory_space<vmem>>) dst(%dma_wait3A_479 : memref<128x128xf32, #tpu.memory_space<hbm>>)
          "tpu.trace_stop"() : () -> ()
        } else {
        }
        %and3A_425 = arith.constant true
        %and3A_426 = arith.andi %and3A_421, %and3A_425 : i1
        %add3A_427 = arith.constant 1 : i32
        %add3A_428 = arith.addi %scan3A_207, %add3A_427 : i32
        %select_n3A_429 = arith.select %and3A_426, %add3A_428, %scan3A_207 : i32
        %mul3A_430 = arith.constant 188 : i32
        %mul3A_431 = arith.muli %add3A_215, %mul3A_430 : i32
        %add3A_432 = arith.addi %mul3A_431, %add3A_217 : i32
        %mul3A_433 = arith.constant 188 : i32
        %mul3A_434 = arith.muli %add3A_253, %mul3A_433 : i32
        %add3A_435 = arith.addi %mul3A_434, %add3A_255 : i32
        %ne3A_436 = arith.cmpi ne, %add3A_432, %add3A_435 : i32
        %or3A_437 = arith.constant false
        %or3A_438 = arith.ori %or3A_437, %ne3A_436 : i1
        %or3A_439 = arith.constant false
        %or3A_440 = arith.ori %or3A_438, %or3A_439 : i1
        %or3A_441 = arith.constant false
        %or3A_442 = arith.ori %or3A_440, %or3A_441 : i1
        %or3A_443 = arith.ori %or3A_442, %eq3A_213 : i1
        %add3A_444 = arith.constant 1 : i32
        %add3A_445 = arith.addi %scan3A_205, %add3A_444 : i32
        %select_n3A_446 = arith.select %or3A_443, %add3A_445, %scan3A_205 : i32
        %add3A_447 = arith.constant 1 : i32
        %add3A_448 = arith.addi %scan3A_209, %add3A_447 : i32
        %select_n3A_449 = arith.constant true
        %select_n3A_450 = arith.select %select_n3A_449, %add3A_448, %scan3A_209 : i32
        %eq3A_451 = arith.constant 188 : i32
        %eq3A_452 = arith.cmpi eq, %select_n3A_450, %eq3A_451 : i32
        %select_n3A_453 = arith.constant 0 : i32
        %select_n3A_454 = arith.select %eq3A_452, %select_n3A_453, %select_n3A_450 : i32
        %select_n3A_455 = arith.constant 0 : i32
        %select_n3A_456 = arith.constant 1 : i32
        %select_n3A_457 = arith.select %eq3A_452, %select_n3A_456, %select_n3A_455 : i32
        %eq3A_458 = arith.constant 1 : i32
        %eq3A_459 = arith.cmpi eq, %select_n3A_457, %eq3A_458 : i32
        %select_n3A_460 = arith.constant 0 : i32
        %select_n3A_461 = arith.select %eq3A_459, %select_n3A_460, %select_n3A_457 : i32
        %scan3A_462 = arith.constant 0 : i32
        scf.yield %select_n3A_293, %select_n3A_446, %select_n3A_386, %select_n3A_429, %scan3A_462, %select_n3A_454 : i32, i32, i32, i32, i32, i32
      }
      %scan3A_107 = arith.constant 188 : i32
      %sub3A = arith.constant 1 : i32
      %sub3A_108 = arith.subi %scan3A_106#5, %sub3A : i32
      %select_n3A_109 = arith.constant true
      %select_n3A_110 = arith.select %select_n3A_109, %sub3A_108, %scan3A_106#5 : i32
      %eq3A_111 = arith.constant -1 : i32
      %eq3A_112 = arith.cmpi eq, %select_n3A_110, %eq3A_111 : i32
      %select_n3A_113 = arith.constant 187 : i32
      %select_n3A_114 = arith.select %eq3A_112, %select_n3A_113, %select_n3A_110 : i32
      %sub3A_115 = arith.constant 1 : i32
      %sub3A_116 = arith.subi %scan3A_106#4, %sub3A_115 : i32
      %select_n3A_117 = arith.select %eq3A_112, %sub3A_116, %scan3A_106#4 : i32
      %eq3A_118 = arith.constant -1 : i32
      %eq3A_119 = arith.cmpi eq, %select_n3A_117, %eq3A_118 : i32
      %select_n3A_120 = arith.constant 0 : i32
      %select_n3A_121 = arith.select %eq3A_119, %select_n3A_120, %select_n3A_117 : i32
      %add3A_122 = arith.constant 0 : i32
      %add3A_123 = arith.addi %add3A_122, %mul3A_6 : i32
      %add3A_124 = arith.constant 0 : i32
      %add3A_125 = arith.addi %select_n3A_114, %add3A_124 : i32
      %sub3A_126 = arith.constant 1 : i32
      %sub3A_127 = arith.subi %select_n3A_114, %sub3A_126 : i32
      %select_n3A_128 = arith.constant true
      %select_n3A_129 = arith.select %select_n3A_128, %sub3A_127, %select_n3A_114 : i32
      %eq3A_130 = arith.constant -1 : i32
      %eq3A_131 = arith.cmpi eq, %select_n3A_129, %eq3A_130 : i32
      %select_n3A_132 = arith.constant 187 : i32
      %select_n3A_133 = arith.select %eq3A_131, %select_n3A_132, %select_n3A_129 : i32
      %select_n3A_134 = arith.constant 0 : i32
      %select_n3A_135 = arith.constant -1 : i32
      %select_n3A_136 = arith.select %eq3A_131, %select_n3A_135, %select_n3A_134 : i32
      %eq3A_137 = arith.constant -1 : i32
      %eq3A_138 = arith.cmpi eq, %select_n3A_136, %eq3A_137 : i32
      %select_n3A_139 = arith.constant 0 : i32
      %select_n3A_140 = arith.select %eq3A_138, %select_n3A_139, %select_n3A_136 : i32
      %add3A_141 = arith.constant 0 : i32
      %add3A_142 = arith.addi %add3A_141, %mul3A_6 : i32
      %add3A_143 = arith.constant 0 : i32
      %add3A_144 = arith.addi %select_n3A_133, %add3A_143 : i32
      %add3A_145 = arith.constant 1 : i32
      %add3A_146 = arith.addi %select_n3A_114, %add3A_145 : i32
      %select_n3A_147 = arith.constant true
      %select_n3A_148 = arith.select %select_n3A_147, %add3A_146, %select_n3A_114 : i32
      %eq3A_149 = arith.constant 188 : i32
      %eq3A_150 = arith.cmpi eq, %select_n3A_148, %eq3A_149 : i32
      %select_n3A_151 = arith.constant 0 : i32
      %select_n3A_152 = arith.select %eq3A_150, %select_n3A_151, %select_n3A_148 : i32
      %select_n3A_153 = arith.constant 0 : i32
      %select_n3A_154 = arith.constant 1 : i32
      %select_n3A_155 = arith.select %eq3A_150, %select_n3A_154, %select_n3A_153 : i32
      %eq3A_156 = arith.constant 1 : i32
      %eq3A_157 = arith.cmpi eq, %select_n3A_155, %eq3A_156 : i32
      %select_n3A_158 = arith.constant 0 : i32
      %select_n3A_159 = arith.select %eq3A_157, %select_n3A_158, %select_n3A_155 : i32
      %add3A_160 = arith.constant 0 : i32
      %add3A_161 = arith.addi %add3A_160, %mul3A_6 : i32
      %add3A_162 = arith.constant 0 : i32
      %add3A_163 = arith.addi %select_n3A_152, %add3A_162 : i32
      %add3A_164 = arith.constant 1 : i32
      %add3A_165 = arith.addi %select_n3A_152, %add3A_164 : i32
      %select_n3A_166 = arith.constant true
      %select_n3A_167 = arith.select %select_n3A_166, %add3A_165, %select_n3A_152 : i32
      %eq3A_168 = arith.constant 188 : i32
      %eq3A_169 = arith.cmpi eq, %select_n3A_167, %eq3A_168 : i32
      %select_n3A_170 = arith.constant 0 : i32
      %select_n3A_171 = arith.select %eq3A_169, %select_n3A_170, %select_n3A_167 : i32
      %select_n3A_172 = arith.constant 0 : i32
      %select_n3A_173 = arith.constant 1 : i32
      %select_n3A_174 = arith.select %eq3A_169, %select_n3A_173, %select_n3A_172 : i32
      %eq3A_175 = arith.constant 1 : i32
      %eq3A_176 = arith.cmpi eq, %select_n3A_174, %eq3A_175 : i32
      %select_n3A_177 = arith.constant 0 : i32
      %select_n3A_178 = arith.select %eq3A_176, %select_n3A_177, %select_n3A_174 : i32
      %add3A_179 = arith.constant 0 : i32
      %add3A_180 = arith.addi %add3A_179, %mul3A_6 : i32
      %add3A_181 = arith.constant 0 : i32
      %add3A_182 = arith.addi %select_n3A_171, %add3A_181 : i32
      "tpu.trace_start"() <{level = 10 : i32, message = "ep_finalize"}> : () -> ()
      %rem3A_183 = arith.constant 2 : i32
      %rem3A_184 = arith.remui %scan3A_106#3, %rem3A_183 : i32
      %mul3A_185 = arith.constant 188 : i32
      %mul3A_186 = arith.muli %add3A_123, %mul3A_185 : i32
      %add3A_187 = arith.addi %mul3A_186, %add3A_125 : i32
      %mul3A_188 = arith.constant 128 : i32
      %mul3A_189 = arith.muli %mul3A_188, %add3A_187 : i32
      %dma_wait3A = arith.constant 0 : i32
      %dma_wait3A_190 = arith.constant 0 : i32
      %dma_wait3A_191 = tpu.memref_slice %run_scoped3A_8[%rem3A_184, %dma_wait3A, %dma_wait3A_190] : memref<2x128x128xf32, #tpu.memory_space<vmem>> -> memref<1x128x128xf32, #tpu.memory_space<vmem>>
      %dma_wait3A_192 = tpu.memref_squeeze %dma_wait3A_191 : memref<1x128x128xf32, #tpu.memory_space<vmem>> -> memref<128x128xf32, #tpu.memory_space<vmem>>
      %dma_wait3A_193 = arith.constant 0 : i32
      %dma_wait3A_194 = tpu.memref_slice %arg4[%mul3A_189, %dma_wait3A_193] : memref<770048x128xf32, #tpu.memory_space<hbm>> -> memref<128x128xf32, #tpu.memory_space<hbm>>
      %dma_wait3A_195 = tpu.memref_slice %run_scoped3A_9[%rem3A_184] : memref<2x!tpu.dma_semaphore, #tpu.memory_space<semaphore_mem>> -> memref<1x!tpu.dma_semaphore, #tpu.memory_space<semaphore_mem>>
      %dma_wait3A_196 = tpu.memref_squeeze %dma_wait3A_195 : memref<1x!tpu.dma_semaphore, #tpu.memory_space<semaphore_mem>> -> memref<!tpu.dma_semaphore, #tpu.memory_space<semaphore_mem>>
      %dma_wait3A_197 = arith.constant 0 : i32
      %dma_wait3A_198 = tpu.memref_slice %arg4[%mul3A_189, %dma_wait3A_197] : memref<770048x128xf32, #tpu.memory_space<hbm>> -> memref<128x128xf32, #tpu.memory_space<hbm>>
      %dma_wait3A_199 = arith.constant 0 : i32
      %dma_wait3A_200 = arith.constant 0 : i32
      %dma_wait3A_201 = tpu.memref_slice %run_scoped3A_8[%rem3A_184, %dma_wait3A_199, %dma_wait3A_200] : memref<2x128x128xf32, #tpu.memory_space<vmem>> -> memref<1x128x128xf32, #tpu.memory_space<vmem>>
      %dma_wait3A_202 = tpu.memref_squeeze %dma_wait3A_201 : memref<1x128x128xf32, #tpu.memory_space<vmem>> -> memref<128x128xf32, #tpu.memory_space<vmem>>
      tpu.wait_dma2 semaphore(%dma_wait3A_196 : memref<!tpu.dma_semaphore, #tpu.memory_space<semaphore_mem>>) src(%dma_wait3A_202 : memref<128x128xf32, #tpu.memory_space<vmem>>) dst(%dma_wait3A_198 : memref<128x128xf32, #tpu.memory_space<hbm>>)
      "tpu.trace_stop"() : () -> ()
      tpu.yield
    }) : () -> ()
    return
  }
}

module attributes {stable_mosaic.version = 14 : i64} {
  func.func @body(%arg0: i32, %arg1: memref<1000x2048xf32, #tpu.memory_space<vmem>>, %arg2: memref<1x2048x128xf32, #tpu.memory_space<vmem>>, %arg3: memref<1x1x128xf32, #tpu.memory_space<vmem>>, %arg4: memref<1000x128xf32, #tpu.memory_space<vmem>>) attributes {dimension_semantics = [#tpu.dimension_semantics<arbitrary>], iteration_bounds = array<i64: 48>, scalar_prefetch = 0 : i64, scratch_operands = 0 : i64, tpu.core_type = #tpu.core_type<tc>, window_params = [{transform_indices = @transform_0, window_bounds = array<i64: 1000, 2048>}, {transform_indices = @transform_1, window_bounds = array<i64: 1, 2048, 128>}, {transform_indices = @transform_2, window_bounds = array<i64: 1, 1, 128>}, {transform_indices = @transform_3, window_bounds = array<i64: 1000, 128>}]} {
    %get3A = arith.constant 0 : index
    %get3A_0 = arith.constant 0 : index
    %get3A_1 = vector.load %arg1[%get3A, %get3A_0] : memref<1000x2048xf32, #tpu.memory_space<vmem>>, vector<1000x2048xf32>
    %get3A_2 = arith.constant 0 : index
    %get3A_3 = arith.constant 0 : index
    %get3A_4 = arith.constant 0 : index
    %get3A_5 = vector.load %arg2[%get3A_2, %get3A_3, %get3A_4] : memref<1x2048x128xf32, #tpu.memory_space<vmem>>, vector<1x2048x128xf32>
    %get3A_6 = vector.shape_cast %get3A_5 : vector<1x2048x128xf32> to vector<2048x128xf32>
    %dot_general3A = arith.constant dense<0.000000e+00> : vector<1000x128xf32>
    %dot_general3A_7 = tpu.matmul %get3A_1, %get3A_6, %dot_general3A {dimension_numbers = #tpu.dot_dimension_numbers<[1], [0], [0], [1], [0, 0, 1, 1], [], []>, transpose_lhs_hint = false} : vector<1000x2048xf32>, vector<2048x128xf32>, vector<1000x128xf32> -> vector<1000x128xf32>
    %get3A_8 = arith.constant 0 : index
    %get3A_9 = arith.constant 0 : index
    %get3A_10 = arith.constant 0 : index
    %get3A_11 = vector.load %arg3[%get3A_8, %get3A_9, %get3A_10] : memref<1x1x128xf32, #tpu.memory_space<vmem>>, vector<1x1x128xf32>
    %get3A_12 = vector.shape_cast %get3A_11 : vector<1x1x128xf32> to vector<1x128xf32>
    %add3A = vector.broadcast %get3A_12 : vector<1x128xf32> to vector<1000x128xf32>
    %add3A_13 = arith.addf %dot_general3A_7, %add3A : vector<1000x128xf32>
    %swap3A = arith.constant 0 : index
    %swap3A_14 = arith.constant 0 : index
    %swap3A_15 = vector.load %arg4[%swap3A, %swap3A_14] : memref<1000x128xf32, #tpu.memory_space<vmem>>, vector<1000x128xf32>
    tpu.vector_store %arg4[%swap3A, %swap3A_14], %add3A_13 {strides = array<i32>} : memref<1000x128xf32, #tpu.memory_space<vmem>>, vector<1000x128xf32>,
    return
  }
  func.func @transform_0(%arg0: i32) -> (i32, i32) {
    %c0_i32 = arith.constant 0 : i32
    %c0_i32_0 = arith.constant 0 : i32
    return %arg0, %c0_i32 : i32, i32
  }
  func.func @transform_1(%arg0: i32) -> (i32, i32, i32) {
    %jit3A = arith.constant 12 : i32
    %eq3A = arith.constant 0 : i32
    %eq3A_0 = arith.cmpi eq, %jit3A, %eq3A : i32
    %jit3A_1 = arith.constant 1 : i32
    %select_n3A = arith.select %eq3A_0, %jit3A_1, %jit3A : i32
    %rem3A = arith.remsi %arg0, %select_n3A : i32
    %ne3A = arith.constant 0 : i32
    %ne3A_2 = arith.cmpi ne, %rem3A, %ne3A : i32
    %lt3A = arith.constant 0 : i32
    %lt3A_3 = arith.cmpi slt, %rem3A, %lt3A : i32
    %lt3A_4 = arith.constant 0 : i32
    %lt3A_5 = arith.cmpi slt, %select_n3A, %lt3A_4 : i32
    %ne3A_6 = arith.xori %lt3A_3, %lt3A_5 : i1
    %and3A = arith.andi %ne3A_6, %ne3A_2 : i1
    %add3A = arith.addi %rem3A, %select_n3A : i32
    %select_n3A_7 = arith.select %and3A, %add3A, %rem3A : i32
    %lt3A_8 = arith.constant 10 : i32
    %lt3A_9 = arith.cmpi slt, %select_n3A_7, %lt3A_8 : i32
    %jit3A_10 = arith.constant 0 : i32
    %jit3A_11 = arith.constant 1 : i32
    %select_n3A_12 = arith.select %lt3A_9, %jit3A_10, %jit3A_11 : i32
    %c0_i32 = arith.constant 0 : i32
    %c0_i32_13 = arith.constant 0 : i32
    %c0_i32_14 = arith.constant 0 : i32
    return %select_n3A_12, %c0_i32, %c0_i32_13 : i32, i32, i32
  }
  func.func @transform_2(%arg0: i32) -> (i32, i32, i32) {
    %jit3A = arith.constant 12 : i32
    %eq3A = arith.constant 0 : i32
    %eq3A_0 = arith.cmpi eq, %jit3A, %eq3A : i32
    %jit3A_1 = arith.constant 1 : i32
    %select_n3A = arith.select %eq3A_0, %jit3A_1, %jit3A : i32
    %rem3A = arith.remsi %arg0, %select_n3A : i32
    %ne3A = arith.constant 0 : i32
    %ne3A_2 = arith.cmpi ne, %rem3A, %ne3A : i32
    %lt3A = arith.constant 0 : i32
    %lt3A_3 = arith.cmpi slt, %rem3A, %lt3A : i32
    %lt3A_4 = arith.constant 0 : i32
    %lt3A_5 = arith.cmpi slt, %select_n3A, %lt3A_4 : i32
    %ne3A_6 = arith.xori %lt3A_3, %lt3A_5 : i1
    %and3A = arith.andi %ne3A_6, %ne3A_2 : i1
    %add3A = arith.addi %rem3A, %select_n3A : i32
    %select_n3A_7 = arith.select %and3A, %add3A, %rem3A : i32
    %lt3A_8 = arith.constant 10 : i32
    %lt3A_9 = arith.cmpi slt, %select_n3A_7, %lt3A_8 : i32
    %jit3A_10 = arith.constant 0 : i32
    %jit3A_11 = arith.constant 1 : i32
    %select_n3A_12 = arith.select %lt3A_9, %jit3A_10, %jit3A_11 : i32
    %c0_i32 = arith.constant 0 : i32
    %c0_i32_13 = arith.constant 0 : i32
    %c0_i32_14 = arith.constant 0 : i32
    return %select_n3A_12, %c0_i32, %c0_i32_13 : i32, i32, i32
  }
  func.func @transform_3(%arg0: i32) -> (i32, i32) {
    %c0_i32 = arith.constant 0 : i32
    %c0_i32_0 = arith.constant 0 : i32
    return %arg0, %c0_i32 : i32, i32
  }
}

</mosaic_0001>

<sc_bundles>
// kernel: kernel.4.cloned.1.call-start
scs
__scs_entry_jumppad:
0x0: {  	(pc) =	sbr.rel $0x88, $3  }
0x1: {  	(tag) =	ssettag $0x0;
	lr =	simm.s32 $0x1  }
0x2: {  	[smem:$0x3F9A] =	sst lr;
	_ =	strace $0xD0000000  }
0x3: {  	_ = 	snop  }
0x4: {  	_ = 	snop  }
0x5: {  	_ = 	snop  }
0x6: {  	_ = 	snop  }
0x7: {  	_ = 	snop  }
__scs_overlays_trampoline_lowered:
0x8: {  	[smem:$0x3FA9] =	sst s0  }
0x9: {  	[smem:$0x3FAA] =	sst s1  }
0xa: {  	[smem:$0x3FAB] =	sst s2  }
0xb: {  	[smem:$0x3FAC] =	sst s3  }
0xc: {  	[smem:$0x3FAD] =	sst s4  }
0xd: {  	[smem:$0x3FAE] =	sst s5  }
0xe: {  	[smem:$0x3FAF] =	sst s6  }
0xf: {  	[smem:$0x3FB0] =	sst s7  }
0x10: {  	[smem:$0x3FB1] =	sst s8  }
0x11: {  	[smem:$0x3FB2] =	sst s9;
	s0 =	simm.s32 @!p0 $0x0  }
0x12: {  	s1 =	sld [smem:$0x3F98];
	s0 =	simm.s32 @p0 $0x1  }
0x13: {  	[smem:$0x3FB3] =	sst s0;
	s0 =	simm.s32 @!p1 $0x0  }
0x14: {  	s2 =	sld [smem:$0x3F97];
	s0 =	simm.s32 @p1 $0x1  }
0x15: {  	[smem:$0x3FB4] =	sst s0;
	s0 =	simm.s32 @!p2 $0x0  }
0x16: {  	s3 =	sld [smem:$0x3FDB];
	s0 =	simm.s32 @p2 $0x1  }
0x17: {  	s4 =	simm.s32 $0x1BF5;
	[smem:$0x3FB6] =	sst s0  }
0x18: {  	s0 =	sld [smem:$0x3F99];
	_ =	swait.ge [sflag:s4], $0x0  }
0x19: {  	s7 =	sld [smem:$0x3F9A]  }
0x1a: {  	s8 =	sadd.s32 $0xFFFFE003, lr  }
0x1b: {  	s9 =	sadd.s32 $0xFFFFFEF7, lr;
	s5 =	simm.s32 $0xFFFFFFFF;
	p2 =	slt.u32 s8, $0xFFFFF086  }
0x1c: {  	p1 =	slt.u32 s9, $0xF7A;
	s5 =	simm.s32 @!p2 $0x0  }
0x1d: {  	s5 =	simm.s32 @p1 $0x1;
	p0 =	seq.s32 s7, s2  }
0x1e: {  	s7 =	smul.u32 @!p0 $0xF7A, s2;
	p2 =	seq.s32 @!p0 s5, $0x0  }
0x1f: {  	s9 =	smul.u32 $0xF7A, s1;
	s8 =	simm.s32 @!p0 $0x1BF5;
	p2 =	por !p2, p0  }
0x20: {  	[sflag:s8] =	ssyncset.s32 @!p0 $0xFFFFF086;
	s6 =	sadd.s32 @!p0 s3, s7;
	s7 =	simm.s32 @!p0 $0x108  }
0x21: {  	s3 =	sadd.s32 s3, s9;
	s6 =	sadd.s32 @!p0 $0x88, s6;
	s7 =	simm.s32 @p2 $0x1082  }
0x22: {  	[simem:s7], [sflag:s8] =	dma.local @!p0 [hbm:s6], $0xF7A  }
0x23: {  	s9 =	sor.u32 $0xD0000000, s2;
	s6 =	simm.s32 $0x108;
	_ =	swait.ge @!p0 [sflag:s8], $0x0  }
0x24: {  	s3 =	sadd.s32 $0x88, s3;
	s6 =	simm.s32 @!p1 $0x1082;
	[sflag:s4] =	ssyncset.s32 $0xFFFFF086  }
0x25: {  	[simem:s6], [sflag:s4] =	dma.local [hbm:s3], $0xF7A  }
0x26: {  	[smem:$0x3F9A] =	sst s1;
	(tag) =	ssettag s2;
	_ =	strace s9  }
0x27: {  	s1 =	sld [smem:$0x3FAA]  }
0x28: {  	s2 =	sld [smem:$0x3FAB]  }
0x29: {  	s4 =	sld [smem:$0x3FAD]  }
0x2a: {  	p0 =	seq.s32 s5, $0x0;
	s5 =	sld [smem:$0x3FAE]  }
0x2b: {  	s6 =	sld [smem:$0x3FAF]  }
0x2c: {  	s7 =	sld [smem:$0x3FB0]  }
0x2d: {  	s3 =	simm.s32 $0x108;
	s8 =	sld [smem:$0x3FB1]  }
0x2e: {  	s3 =	simm.s32 @!p0 $0x1082;
	s9 =	sld [smem:$0x3FB2]  }
0x2f: {  	lr =	sadd.s32 s0, s3;
	s0 =	sld [smem:$0x3FA9]  }
0x30: {  	s3 =	sld [smem:$0x3FAC]  }
0x31: {  	[smem:$0x3FB5] =	sst s10  }
0x32: {  	s10 =	sld [smem:$0x3FB3];
	_ =	sdelay $0x3  }
0x33: {  	p0 =	seq.s32 s10, $0x1;
	s10 =	sld [smem:$0x3FB5];
	_ =	sdelay $0x3  }
0x34: {  	[smem:$0x3FB5] =	sst s10  }
0x35: {  	s10 =	sld [smem:$0x3FB4];
	_ =	sdelay $0x3  }
0x36: {  	p1 =	seq.s32 s10, $0x1;
	s10 =	sld [smem:$0x3FB5];
	_ =	sdelay $0x3  }
0x37: {  	[smem:$0x3FB5] =	sst s10  }
0x38: {  	s10 =	sld [smem:$0x3FB6]  }
0x39: {  	_ = 	snop;
	(pc) =	sbr.ind lr, $3  }
0x3a: {  	_ = 	snop  }
0x3b: {  	_ = 	snop  }
0x3c: {  	p2 =	seq.s32 s10, $0x1;
	s10 =	sld [smem:$0x3FB5]  }
0x3d: {  	_ =	shalt  }
0x3e: {  	_ =	shalt  }
0x3f: {  	_ =	shalt  }
0x40: {  	_ =	shalt  }
0x41: {  	_ =	shalt  }
0x42: {  	_ =	shalt  }
0x43: {  	_ =	shalt  }
0x44: {  	_ =	shalt  }
0x45: {  	_ =	shalt  }
0x46: {  	_ =	shalt  }
0x47: {  	_ =	shalt  }
0x48: {  	_ =	shalt  }
0x49: {  	_ =	shalt  }
0x4a: {  	_ =	shalt  }
0x4b: {  	_ =	shalt  }
0x4c: {  	_ =	shalt  }
0x4d: {  	_ =	shalt  }
0x4e: {  	_ =	shalt  }
0x4f: {  	_ =	shalt  }
0x50: {  	_ =	shalt  }
0x51: {  	_ =	shalt  }
0x52: {  	_ =	shalt  }
0x53: {  	_ =	shalt  }
0x54: {  	_ =	shalt  }
0x55: {  	_ =	shalt  }
0x56: {  	_ =	shalt  }
0x57: {  	_ =	shalt  }
0x58: {  	_ =	shalt  }
0x59: {  	_ =	shalt  }
0x5a: {  	_ =	shalt  }
0x5b: {  	_ =	shalt  }
0x5c: {  	_ =	shalt  }
0x5d: {  	_ =	shalt  }
0x5e: {  	_ =	shalt  }
0x5f: {  	_ =	shalt  }
0x60: {  	_ =	shalt  }
0x61: {  	_ =	shalt  }
0x62: {  	_ =	shalt  }
0x63: {  	_ =	shalt  }
0x64: {  	_ =	shalt  }
0x65: {  	_ =	shalt  }
0x66: {  	_ =	shalt  }
0x67: {  	_ =	shalt  }
0x68: {  	_ =	shalt  }
0x69: {  	_ =	shalt  }
0x6a: {  	_ =	shalt  }
0x6b: {  	_ =	shalt  }
0x6c: {  	_ =	shalt  }
0x6d: {  	_ =	shalt  }
0x6e: {  	_ =	shalt  }
0x6f: {  	_ =	shalt  }
0x70: {  	_ =	shalt  }
0x71: {  	_ =	shalt  }
0x72: {  	_ =	shalt  }
0x73: {  	_ =	shalt  }
0x74: {  	_ =	shalt  }
0x75: {  	_ =	shalt  }
0x76: {  	_ =	shalt  }
0x77: {  	_ =	shalt  }
0x78: {  	_ =	shalt  }
0x79: {  	_ =	shalt  }
0x7a: {  	_ =	shalt  }
0x7b: {  	_ =	shalt  }
0x7c: {  	_ =	shalt  }
0x7d: {  	_ =	shalt  }
0x7e: {  	_ =	shalt  }
0x7f: {  	_ =	shalt  }
0x80: {  	_ =	shalt  }
0x81: {  	_ =	shalt  }
0x82: {  	_ =	shalt  }
0x83: {  	_ =	shalt  }
0x84: {  	_ =	shalt  }
0x85: {  	_ =	shalt  }
0x86: {  	_ =	shalt  }
0x87: {  	_ =	shalt  }
.Lfunc_end0:
.L_simem_size_0:
called_computation_lowered:
.L_overlay_start_0:
0x88: {  	s2 =	sld [smem:$0x3FD9]  }
0x89: {  	s3 =	sld [smem:$0x3FFE];
	_ =	sdelay $0x1  }
0x8a: {  	s1 =	srdreg.scid  }
0x8b: {  	s0 =	sand.u32 $0x1, s1  }
0x8c: {  	s17 =	sshll.u32 s0, $0xA;
	s2 =	sadd.s32 s3, s2  }
0x8d: {  	s2 =	sadd.s32 s2, s17  }
0x8e: {  	[smem:$0x3FC1] =	sst s2  }
0x8f: {  	_ = 	snop  }
0x90: {  	s2 =	sld [smem:$0x3FD0];
	(tm) =	ssettm $0x1  }
0x91: {  	s18 =	sld [smem:$0x3FFB];
	_ =	sdelay $0x3  }
0x92: {  	_ =	strace s18  }
0x93: {  	s3 =	sld [smem:$0x3FFC];
	_ =	sdelay $0x3  }
0x94: {  	_ =	strace s3  }
0x95: {  	s3 =	sld [smem:$0x3FFD];
	_ =	sdelay $0x3  }
0x96: {  	_ =	strace s3  }
0x97: {  	_ =	strace $0x8FFFFFFF  }
0x98: {  	s19 =	sld [smem:$0x3FDB];
	_ =	sdelay $0x1  }
0x99: {  	s4 =	simm.s32 $_scs_section_size  }
0x9a: {  	s5 =	simm.s32 $_size__tile_overlayer_lowered;
	s6 =	simm.s32 $_tile_overlayer_lowered  }
0x9b: {  	s22 =	simm.s32 $0x1BFF;
	s21 =	sshll.u32 s6, $0x1;
	s3 =	sadd.s32 s4, s19  }
0x9c: {  	s7 =	simm.s32 $0x0;
	s20 =	sshll.u32 s5, $0x1;
	s5 =	sadd.s32 s21, s3  }
0x9d: {  	[timem:s7], [sflag:s22] =	dma.local [hbm:s5], s20  }
0x9e: {  	_ =	swait.ge [sflag:s22], s20  }
0x9f: {  	s4 =	ssub.s32 $0x0, s20;
	[sflag:s22] =	ssyncset.done $0x0  }
0xa0: {  	[sflag:s22] =	ssyncadd.s32 s4;
	_ =	sdelay $0x1  }
0xa1: {  	s23 =	simm.s32 $0x1B8B  }
0xa2: {  	_ =	swait.ge [sflag:s23], $0x1  }
0xa3: {  	[sflag:s23] =	ssyncset.done $0x0  }
0xa4: {  	s25 =	simm.s32 $0x1B8E;
	s24 =	sld [smem:$0x3FFE];
	[sflag:s23] =	ssyncadd.s32 $0xFFFFFFFF  }
0xa5: {  	s26 =	simm.s32 $execute0_lowered;
	[smem:$0x3FD2] =	sst s25  }
0xa6: {  	s5 =	sshll.u32 s26, $0x1;
	_ =	strace $0x80000046;
	[dreg:$0x1] =	wrdreg $0xFFFFFFFF  }
0xa7: {  	s28 =	simm.s32 $_size_execute0_lowered;
	s3 =	sadd.s32 s3, s5;
	[dreg:$0x0] =	wrdreg $0x0  }
0xa8: {  	s5 =	sshll.u32 s28, $0x1;
	[dreg:$0x2] =	wrdreg s3  }
0xa9: {  	[dreg:$0x3] =	wrdreg s5  }
0xaa: {  	[dreg:$0x4] =	wrdreg $0xC0  }
0xab: {  	_ =	task [dreg:s7], $0x5FFFF  }
0xac: {  	[dreg:$0x1] =	wrdreg $0xFFFFFFFF  }
0xad: {  	[dreg:$0x0] =	wrdreg $0x60  }
0xae: {  	[dreg:$0x2] =	wrdreg s24  }
0xaf: {  	[dreg:$0x3] =	wrdreg s2  }
0xb0: {  	[dreg:$0x4] =	wrdreg $0x9  }
0xb1: {  	_ =	task.clear_ibuf [dreg:s7], $0x5FFFF;
	_ =	strace $0x90000046  }
0xb2: {  	s29 =	simm.s32 $0x9;
	_ =	strace $0x8000004F  }
0xb3: {  	_ =	swait.ge [sflag:s29], $0x1  }
0xb4: {  	[sflag:s29] =	ssyncadd.s32 $0xFFFFFFFF  }
0xb5: {  	_ =	strace $0x9000004F  }
0xb6: {  	_ =	sfence  }
0xb7: {  	s30 =	sld [smem:$0x0];
	_ =	sdelay $0x2  }
0xb8: {  	s31 =	sshll.u32 s1, $0xD;
	s1 =	sshrl.u32 s1, $0x2  }
0xb9: {  	s3 =	sand.u32 $0x4000, s31;
	s1 =	sadd.s32 s1, s30  }
0xba: {  	s0 =	sor.u32 s3, s0;
	s1 =	sshll.u32 s1, $0x11  }
0xbb: {  	s0 =	sor.u32 s1, s0  }
0xbc: {  	s0 =	sadd.s32 $0x8F2B, s0  }
0xbd: {  	[sflag:s0] =	ssyncadd.remote.s32 $0x1  }
0xbe: {  	_ =	sfence.sel $0xFFFF  }
0xbf: {  	[dreg:$0x0] =	wrdreg $0xFFFFFFFF;
	(pc) =	sbr.abs _section_cstart, $3  }
0xc0: {  	[dreg:$0x1] =	wrdreg $0xFFFFFFFF  }
0xc1: {  	_ =	task.clear_ibuf [dreg:s7], $0x2FFFF;
	_ =	strace $0x9FFFFFFF  }
0xc2: {  	(tm) =	ssettm $0x7FFFFFFF  }
0xc3: {  	_ =	shalt  }
tec
execute0_lowered:
.L_overlay_start_1:
0x0: {  	(tag) =	ssettag $0x1  }
0x1: {  	s4 =	rddreg [dreg:$0x0]  }
0x2: {  	s1 =	rddreg [dreg:$0x1]  }
0x3: {  	s0 =	rddreg [dreg:$0x2]  }
0x4: {  	s2 =	simm.s32 $0x0;
	s3 =	srdreg.scid;
	s31 =	simm.s32 $0x80  }
0x5: {  	s9 =	simm.s32 $0x0;
	[smem:$0x7FF] =	sst s2;
	s5 =	sand.u32 $0x1, s3  }
0x6: {  	s6 =	sadd.s32 $0x1200, s4;
	s3 =	stileid.u32;
	s4 =	sadd.s32 $0xBCC00, s4  }
0x7: {  	_ =	strace $0x80000047;
	s7 =	sshll.u32 s5, $0x4;
	s5 =	ssub.s32 $0x2, s5  }
0x8: {  	[dreg:$0x3] =	wrdreg s6;
	s29 =	sor.u32 s3, s7;
	s30 =	sshrl.u32 s5, $0x1  }
0x9: {  	[dreg:$0x5] =	wrdreg s4;
	s7 =	smul.u32 $0xBC0, s29;
	s8 =	ssub.s32 s5, s30  }
0xa: {  	[dreg:$0x4] =	wrdreg s31;
	s4 =	smul.u32 $0xBC, s29;
	s6 =	smax.u32 s8, $0x1  }
0xb: {  	s8 =	simm.s32 $0x5;
	s5 =	sadd.s32 s1, s7;
	s7 =	simm.s32 $0x1  }
.LBB2_1:
0xc: {  	_ =	strace $0x80000048;
	s10 =	simm.s32 $0x1;
	p0 =	por $0x0, $0x0  }
0xd: {  	[tilespmem:s2], [sflag:$0x1] =	stream.linear.gather [hbm4b:s5+s2], $0x80, $0x200038;
	[tilespmem:$0x8100] =	vst v63  }
0xe: {  	s10 =	simm.s32 @p0 $0x0  }
0xf: {  	p4 =	por $0x1, $0x1;
	s19 =	sand.u32 $0x1, s2;
	p1 =	sne.s32 s10, $0x0  }
0x10: {  	p2 =	por $0x1, $0x1;
	s17 =	simm.s32 $0xBA;
	p0 =	por !p4, !p1  }
0x11: {  	s15 =	simm.s32 $0x0;
	p5 =	por $0x0, $0x0;
	p0 =	por !p0, !p0  }
0x12: {  	s22 =	sadd.s32 $0x0, s4;
	s30 =	sadd.s32 $0x1, s19;
	s11 =	sadd.s32 @p0 s4, s10  }
0x13: {  	_ =	strace $0x90000048;
	s12 =	sand.u32 @p0 $0x1, s7;
	s11 =	sshll.u32 @p0 s11, $0x4  }
0x14: {  	_ =	strace @p0 $0x80000049;
	s14 =	simm.s32 @p0 $0x0;
	s11 =	sand.u32 @p0 $0x1FFFFFF0, s11  }
0x15: {  	s13 =	sshll.u32 @p0 s12, $0x7;
	s12 =	sadd.s32 @p0 $0x1, s12;
	s11 =	sadd.s32 @p0 s1, s11  }
0x16: {  	[tilespmem:s13], [sflag:s12] =	stream.linear.gather @p0 [hbm4b:s11+s14], $0x80, $0x200038;
	[tilespmem:$0x8100] =	vst v63  }
0x17: {  	p3 =	por p2, p2;
	s20 =	sshll.u32 s19, $0xE;
	_ =	strace @p0 $0x90000049  }
0x18: {  	s15 =	sand.u32 $0x80, s15;
	p2 =	por p5, p5;
	_ =	strace $0x8000004A  }
0x19: {  	s16 =	sadd.s32 $0x1, s10;
	s21 =	sor.u32 $0x100, s20;
	_ =	swait.ge [sflag:s30], $0x80  }
0x1a: {  	s20 =	simm.s32 $0x1;
	p6 =	por p1, p1;
	[sflag:s30] =	ssyncset.done $0x0  }
0x1b: {  	p1 =	por p3, p3;
	p4 =	por $0x1, $0x1;
	[sflag:s30] =	ssyncadd.s32 $0xFFFFFF80  }
0x1c: {  	s11 =	simm.s32 $0xBB;
	s14 =	sand.u32 @!p3 $0x1, s2;
	_ =	strace $0x9000004A  }
0x1d: {  	s12 =	simm.s32 $0x1;
	p3 =	seq.s32 s16, $0xBC;
	_ =	strace $0x8000004B  }
0x1e: {  	s12 =	simm.s32 @!p0 $0x0;
	s16 =	simm.s32 @p3 $0x0;
	s18 =	rddreg [dreg:$0x4]  }
0x1f: {  	p0 =	por $0x0, $0x0;
	s13 =	sadd.s32 $0x1, s12;
	s31 =	rddreg [dreg:$0x3]  }
0x20: {  	[tilespmem:s21], [sflag:$0x5] =	stream.indirect.gather [hbm4b:s31+s18], $0x80, s15, s18, $0x2000b8;
	[tilespmem:$0x8100] =	vst v63  }
0x21: {  	p3 =	sne.s32 s10, s16;
	s20 =	simm.s32 @!p0 $0x0;
	_ =	swait.ge [sflag:s8], $0x4000  }
0x22: {  	p5 =	por !p4, !p3;
	p4 =	por $0x0, $0x0;
	[sflag:s8] =	ssyncset.done $0x0  }
0x23: {  	s12 =	simm.s32 $0x0;
	p6 =	por p4, p6;
	[sflag:s8] =	ssyncadd.s32 $0xFFFFC000  }
0x24: {  	s15 =	simm.s32 $0x0;
	s18 =	simm.s32 $0x0;
	_ =	strace $0x9000004B  }
.LBB2_2:
0x25: {  	_ =	strace @p6 $0x8000004C;
	s30 =	smov.u32 s11  }
0x26: {  	s11 =	smov.u32 s17;
	s17 =	sadd.s32 $0xFFFFFFFF, s17;
	p0 =	por p3, p3  }
0x27: {  	s26 =	sshll.u32 @p6 s22, $0xB;
	s19 =	sadd.s32 @p6 $0x3, s19;
	s23 =	simm.s32 @!p0 $0x0  }
0x28: {  	s24 =	rddreg [dreg:$0x5];
	s26 =	sand.u32 @p6 $0x1FFFF800, s26;
	s23 =	simm.s32 @p0 $0x1  }
0x29: {  	s24 =	sadd.s32 @p6 s24, s26;
	s26 =	simm.s32 @p6 $0x0;
	p0 =	sne.s32 s17, $0x0  }
0x2a: {  	[hbm4b:s24+s26] =	stream.linear.scatter @p6 [tilespmem:s21], [sflag:s19], $0x4000, $0x200038;
	[tilespmem:$0x8100] =	vst v63  }
0x2b: {  	s12 =	sadd.s32 s20, s12;
	s19 =	sadd.s32 @!p1 $0x3, s14;
	s14 =	simm.s32 @!p0 $0x0  }
0x2c: {  	s25 =	simm.s32 $0x1;
	[smem:$0x7FC] =	sst s23;
	s14 =	simm.s32 @p0 $0x1  }
0x2d: {  	s25 =	simm.s32 @!p6 $0x0;
	_ =	strace @p6 $0x9000004C;
	[smem:$0x7FD] =	sst s14  }
0x2e: {  	p5 =	por !p5, !p5;
	s18 =	sadd.s32 s25, s18;
	_ =	strace @!p1 $0x8000004D  }
0x2f: {  	s23 =	sand.u32 @!p2 $0x1, s12;
	s21 =	sand.u32 @p5 $0x1, s13;
	_ =	swait.ge @!p1 [sflag:s19], $0x4000  }
0x30: {  	s14 =	smov.u32 s23;
	s23 =	sadd.s32 @p5 s4, s16;
	[sflag:s19] =	ssyncset.done @!p1 $0x0  }
0x31: {  	s24 =	sshll.u32 @p5 s21, $0x7;
	s23 =	sshll.u32 @p5 s23, $0x4;
	[sflag:s19] =	ssyncadd.s32 @!p1 $0xFFFFC000  }
0x32: {  	s19 =	sadd.s32 @p5 $0x1, s21;
	s21 =	sand.u32 @p5 $0x1FFFFFF0, s23;
	_ =	strace @!p1 $0x9000004D  }
0x33: {  	s23 =	simm.s32 @p5 $0x0;
	s21 =	sadd.s32 @p5 s1, s21;
	_ =	strace @p5 $0x80000049  }
0x34: {  	[tilespmem:s24], [sflag:s19] =	stream.linear.gather @p5 [hbm4b:s21+s23], $0x80, $0x200038;
	[tilespmem:$0x8100] =	vst v63  }
0x35: {  	s15 =	sadd.s32 s25, s15;
	s25 =	sand.u32 $0x1, s18;
	_ =	strace @p5 $0x90000049  }
0x36: {  	s23 =	sadd.s32 $0x1, s25;
	_ =	strace $0x8000004A  }
0x37: {  	_ =	swait.ge [sflag:s23], $0x80  }
0x38: {  	[sflag:s23] =	ssyncset.done $0x0  }
0x39: {  	s19 =	simm.s32 $0x1;
	[sflag:s23] =	ssyncadd.s32 $0xFFFFFF80  }
0x3a: {  	s19 =	simm.s32 @!p5 $0x0;
	_ =	strace $0x9000004A  }
0x3b: {  	s13 =	sadd.s32 s19, s13;
	s19 =	sand.u32 $0x1, s15;
	_ =	strace $0x8000004B  }
0x3c: {  	s31 =	sshll.u32 s18, $0x7;
	s24 =	sshll.u32 s19, $0xE;
	s25 =	rddreg [dreg:$0x4]  }
0x3d: {  	s29 =	sand.u32 $0x80, s31;
	s21 =	sor.u32 $0x100, s24;
	s26 =	rddreg [dreg:$0x3]  }
0x3e: {  	[tilespmem:s21], [sflag:$0x5] =	stream.indirect.gather [hbm4b:s26+s25], $0x80, s29, s25, $0x2000b8;
	[tilespmem:$0x8100] =	vst v63  }
0x3f: {  	_ =	swait.ge [sflag:s8], $0x4000  }
0x40: {  	[sflag:s8] =	ssyncset.done $0x0  }
0x41: {  	s28 =	sadd.s32 $0x1, s16;
	[sflag:s8] =	ssyncadd.s32 $0xFFFFC000  }
0x42: {  	s22 =	sadd.s32 s4, s10;
	s10 =	smov.u32 s16;
	_ =	strace $0x9000004B  }
0x43: {  	p3 =	seq.s32 s28, $0xBC;
	s16 =	smov.u32 s28;
	s31 =	sld [smem:$0x7FD]  }
0x44: {  	s20 =	simm.s32 $0x1;
	s16 =	simm.s32 @p3 $0x0  }
0x45: {  	p6 =	sne.s32 s11, $0x1;
	p0 =	sne.s32 s30, $0xBC;
	p3 =	sne.s32 s10, s16  }
0x46: {  	s20 =	simm.s32 @!p0 $0x0;
	p5 =	por !p6, !p3;
	p0 =	seq.s32 s31, $0x1  }
.Ltmp0:
0x47: {  	p6 =	seq.s32 s30, $0x1;
	s30 =	sld [smem:$0x7FC];
	(pc) =	sbr.rel @p0 .LBB2_2-.Ltmp0, $4  }
0x48: {  	_ = 	snop  }
0x49: {  	p4 =	seq.s32 s11, $0xBC  }
0x4a: {  	p1 =	por p2, p2;
	p2 =	por p4, p4;
	p4 =	seq.s32 s30, $0x1  }
0x4b: {  	p6 =	por p6, p4  }
0x4c: {  	_ =	strace @p6 $0x8000004C;
	s22 =	sshll.u32 @p6 s22, $0xB  }
0x4d: {  	s17 =	rddreg [dreg:$0x5];
	s22 =	sand.u32 @p6 $0x1FFFF800, s22  }
0x4e: {  	s19 =	sadd.s32 @p6 $0x3, s19;
	s17 =	sadd.s32 @p6 s17, s22;
	s22 =	simm.s32 @p6 $0x0  }
0x4f: {  	[hbm4b:s17+s22] =	stream.linear.scatter @p6 [tilespmem:s21], [sflag:s19], $0x4000, $0x200038;
	[tilespmem:$0x8100] =	vst v63  }
0x50: {  	p0 =	por !p5, !p5;
	_ =	strace @p6 $0x9000004C  }
0x51: {  	s14 =	sadd.s32 @!p1 $0x3, s14;
	s16 =	sadd.s32 @p0 s4, s16;
	_ =	strace @!p1 $0x8000004D  }
0x52: {  	s13 =	sand.u32 @p0 $0x1, s13;
	s16 =	sshll.u32 @p0 s16, $0x4;
	_ =	swait.ge @!p1 [sflag:s14], $0x4000  }
0x53: {  	s17 =	simm.s32 $0x1;
	s19 =	sshll.u32 @p0 s13, $0x7;
	[sflag:s14] =	ssyncset.done @!p1 $0x0  }
0x54: {  	s13 =	sadd.s32 @p0 $0x1, s13;
	s17 =	simm.s32 @!p6 $0x0;
	[sflag:s14] =	ssyncadd.s32 @!p1 $0xFFFFC000  }
0x55: {  	s18 =	sadd.s32 s17, s18;
	s14 =	sand.u32 @p0 $0x1FFFFFF0, s16;
	_ =	strace @!p1 $0x9000004D  }
0x56: {  	s16 =	simm.s32 @p0 $0x0;
	s14 =	sadd.s32 @p0 s1, s14;
	_ =	strace @p0 $0x80000049  }
0x57: {  	[tilespmem:s19], [sflag:s13] =	stream.linear.gather @p0 [hbm4b:s14+s16], $0x80, $0x200038;
	[tilespmem:$0x8100] =	vst v63  }
0x58: {  	s24 =	sand.u32 $0x1, s18;
	_ =	strace @p0 $0x90000049  }
0x59: {  	s13 =	sadd.s32 $0x1, s24;
	_ =	strace $0x8000004A  }
0x5a: {  	_ =	swait.ge [sflag:s13], $0x80  }
0x5b: {  	[sflag:s13] =	ssyncset.done $0x0  }
0x5c: {  	[sflag:s13] =	ssyncadd.s32 $0xFFFFFF80  }
0x5d: {  	s25 =	sadd.s32 s17, s15;
	_ =	strace $0x9000004A  }
0x5e: {  	s13 =	sand.u32 $0x1, s25;
	_ =	strace $0x8000004B  }
0x5f: {  	s29 =	sshll.u32 s18, $0x7;
	s30 =	sshll.u32 s13, $0xE;
	s26 =	rddreg [dreg:$0x4]  }
0x60: {  	s16 =	sand.u32 $0x80, s29;
	s17 =	sor.u32 $0x100, s30;
	s28 =	rddreg [dreg:$0x3]  }
0x61: {  	[tilespmem:s17], [sflag:$0x5] =	stream.indirect.gather [hbm4b:s28+s26], $0x80, s16, s26, $0x2000b8;
	[tilespmem:$0x8100] =	vst v63  }
0x62: {  	_ =	swait.ge [sflag:s8], $0x4000  }
0x63: {  	[sflag:s8] =	ssyncset.done $0x0  }
0x64: {  	p5 =	por p3, p3;
	p6 =	seq.s32 s11, $0x1;
	[sflag:s8] =	ssyncadd.s32 $0xFFFFC000  }
0x65: {  	s10 =	sadd.s32 s4, s10;
	p0 =	por p6, p5;
	_ =	strace $0x9000004B  }
0x66: {  	s10 =	sshll.u32 @p0 s10, $0xB;
	_ =	strace @p0 $0x8000004C  }
0x67: {  	s12 =	sadd.s32 s20, s12;
	s10 =	sand.u32 @p0 $0x1FFFF800, s10;
	s14 =	rddreg [dreg:$0x5]  }
0x68: {  	s13 =	sadd.s32 @p0 $0x3, s13;
	s10 =	sadd.s32 @p0 s14, s10;
	s14 =	simm.s32 @p0 $0x0  }
0x69: {  	[hbm4b:s10+s14] =	stream.linear.scatter @p0 [tilespmem:s17], [sflag:s13], $0x4000, $0x200038;
	[tilespmem:$0x8100] =	vst v63  }
0x6a: {  	p1 =	por p2, p2;
	s10 =	sand.u32 @!p2 $0x1, s12;
	_ =	strace @p0 $0x9000004C  }
0x6b: {  	s10 =	sadd.s32 @!p1 $0x3, s10;
	_ =	strace @!p1 $0x8000004D  }
0x6c: {  	p0 =	sne.s32 s11, $0xBC;
	s11 =	simm.s32 $0x1;
	_ =	swait.ge @!p1 [sflag:s10], $0x4000  }
0x6d: {  	s11 =	simm.s32 @!p0 $0x0;
	[sflag:s10] =	ssyncset.done @!p1 $0x0  }
0x6e: {  	s9 =	sadd.s32 $0x1, s9;
	s11 =	sadd.s32 s11, s12;
	[sflag:s10] =	ssyncadd.s32 @!p1 $0xFFFFC000  }
0x6f: {  	p0 =	sne.s32 s9, s6;
	s31 =	sand.u32 $0x1, s11;
	_ =	strace @!p1 $0x9000004D  }
.Ltmp1:
0x70: {  	s10 =	sadd.s32 $0x3, s31;
	_ =	strace $0x8000004E;
	(pc) =	sbr.rel @p0 .LBB2_1-.Ltmp1, $4  }
0x71: {  	_ =	swait.ge [sflag:s10], $0x4000  }
0x72: {  	[sflag:s10] =	ssyncset.done $0x0  }
0x73: {  	[sflag:s10] =	ssyncadd.s32 $0xFFFFC000  }
0x74: {  	_ =	strace $0x9000004E  }
0x75: {  	_ =	sfence.sel $0x180000  }
0x76: {  	[bflag:$0x0] =	sbarrier.arrive $0xFFFF  }
0x77: {  	p0 =	sne.s32 s3, $0x0;
	_ =	strace $0x90000047  }
0x78: {  	s0 =	sadd.s32 @!p0 $0x100000, s0;
	[bflag:$0x2] =	sbarrier.arrive $0xFFFF  }
0x79: {  	[sflag:s0] =	ssyncadd.tile.s32 @!p0 $0x1;
	_ =	shalt  }
.Lfunc_end2:
_tile_overlayer_lowered:
.L_overlay_start_2:
0x7a: {  	(tag) =	ssettag $0x2  }
0x7b: {  	s0 =	rddreg [dreg:$0x0];
	s2 =	stileid.u32  }
0x7c: {  	s1 =	rddreg [dreg:$0x1];
	p0 =	sne.s32 s2, $0x0  }
0x7d: {  	s3 =	rddreg [dreg:$0x2];
	[bflag:$0x3] =	sbarrier.arrive $0xFFFF;
	s2 =	simm.s32 @!p0 $0x1C01  }
0x7e: {  	[timem:s3], [sflag:s2] =	dma.local @!p0 [hbm:s0], s1  }
0x7f: {  	s0 =	simm.s32 @!p0 $0x1  }
0x80: {  	_ =	swait.ge @!p0 [sflag:s0], s1  }
0x81: {  	s1 =	ssub.s32 @!p0 $0x0, s1;
	[sflag:s0] =	ssyncset.done @!p0 $0x0  }
0x82: {  	[sflag:s0] =	ssyncadd.s32 @!p0 s1  }
0x83: {  	[bflag:$0x3] =	sbarrier.arrive $0xFFFF  }
0x84: {  	_ =	shalt  }

</sc_bundles>
